<compile_context>
chip_gen: v7x
topology: tpu7x:2x2x1
jax: 0.10.2.dev20260603
libtpu: 0.0.44.dev20260713+nightly
codegen_flags: <defaults>
</compile_context>

<pallas_src>
import jax
import jax.numpy as jnp
from jax import lax
from jax.experimental import pallas as pl
from jax.experimental.pallas import tpu as pltpu
from jax.experimental.pallas import tpu_sc as plsc

N = 10000
D = 128
E = 320000

NC = 2
NS = 16
K = 128
_BLK = -(-(E // NS) // K)
NB = _BLK + (_BLK % 2)
EPW = NB * K
E_PAD = NS * EPW
NBH = NB // 2
EPH = NBH * K
N_PAD = 10240
NH = N_PAD // NC
ZROWS = NH + K
RPC = NH // NS
TCB = 1024


def _mlp_relu_body(x_ref, w_ref, b_ref, o_ref):
    o_ref[:] = jax.nn.relu(
        jnp.dot(x_ref[:], w_ref[:], preferred_element_type=jnp.float32)
        + b_ref[:]
    )


def _msg_precompute(x, Wp, bp2):
    return pl.pallas_call(
        _mlp_relu_body,
        grid=(N_PAD // TCB,),
        in_specs=[
            pl.BlockSpec((TCB, D), lambda i: (i, 0)),
            pl.BlockSpec((D, D), lambda i: (0, 0)),
            pl.BlockSpec((1, D), lambda i: (0, 0)),
        ],
        out_specs=pl.BlockSpec((TCB, D), lambda i: (i, 0)),
        out_shape=jax.ShapeDtypeStruct((N_PAD, D), jnp.float32),
    )(x, Wp, bp2)


def _sc_edge_body(m_hbm, ei_hbm, z_out, deg_out,
                  src_v, dst_v, dst2_v, rows2, hist_v, zsh, sems):
    c = lax.axis_index("c")
    s = lax.axis_index("s")

    zero16 = jnp.zeros((16,), jnp.float32)
    one16 = jnp.ones((16,), jnp.float32)
    lane = lax.iota(jnp.int32, 16)
    base = c * NH

    def _zrow(i, _):
        def _zcol(j, _):
            rows2[0, i, pl.ds(j * 16, 16)] = zero16
            return 0
        lax.fori_loop(0, D // 16, _zcol, 0)
        return 0
    lax.fori_loop(0, K, _zrow, 0)

    def _zhist(i, _):
        hist_v[pl.ds(i * 16, 16)] = zero16
        return 0
    lax.fori_loop(0, NH // 16, _zhist, 0)

    nzch = ZROWS // K
    def _zacc(k, _):
        ch = k * NS + s

        @pl.when(ch < nzch)
        def _():
            pltpu.sync_copy(rows2.at[0], zsh.at[pl.ds(ch * K, K)])
        return 0
    lax.fori_loop(0, -(-nzch // NS), _zacc, 0)

    plsc.subcore_barrier()

    def _half(h, _):
        hb = s * EPW + h * EPH

        start = jnp.minimum(hb, E - EPH)
        dup = hb - start
        pltpu.sync_copy(ei_hbm.at[0, pl.ds(start, EPH)],
                        src_v.at[pl.ds(0, EPH)])
        pltpu.sync_copy(ei_hbm.at[1, pl.ds(start, EPH)],
                        dst_v.at[pl.ds(0, EPH)])

        def _cmp(i, off):
            vs = src_v[pl.ds(i * 16, 16)]
            vd = dst_v[pl.ds(i * 16, 16)]
            local = vd - base
            ok = (local >= 0) & (local < NH) & (i * 16 + lane >= dup)
            plsc.store_compressed(src_v.at[pl.ds(off, 16)], vs, mask=ok)
            plsc.store_compressed(dst_v.at[pl.ds(off, 16)], local, mask=ok)
            return off + plsc.all_reduce_population_count(ok)[0]
        cnt = lax.fori_loop(0, EPH // 16, _cmp, jnp.int32(0), unroll=4)

        nblk = (cnt + K - 1) // K
        padn = nblk * K - cnt
        for t in range(K // 16):
            @pl.when(t * 16 < padn)
            def _(t=t):
                src_v[pl.ds(cnt + t * 16, 16)] = N + lane + 16 * t
                dst_v[pl.ds(cnt + t * 16, 16)] = NH + lane + 16 * t

        def _rl(r, _):
            def _rc(t, _):
                dst2_v[r, pl.ds(t * 16, 16)] = \
                    dst_v[pl.ds(r * K + t * 16, 16)]
                return 0
            lax.fori_loop(0, K // 16, _rc, 0)
            return 0
        lax.fori_loop(0, nblk, _rl, 0)

        @pl.when(nblk > 0)
        def _():
            pltpu.async_copy(m_hbm.at[src_v.at[pl.ds(0, K)]],
                             rows2.at[0], sems.at[0])

        def _blk(j, _):
            p = lax.rem(j, 3)
            pn = lax.rem(j + 1, 3)

            @pl.when(j + 1 < nblk)
            def _():
                pltpu.async_copy(
                    m_hbm.at[src_v.at[pl.ds((j + 1) * K, K)]],
                    rows2.at[pn], sems.at[pn])

            def _hist(t, _):
                idx = dst2_v[j, pl.ds(t * 16, 16)]
                plsc.addupdate_scatter(hist_v, [idx], one16,
                                       mask=idx < NH)
                return 0
            lax.fori_loop(0, K // 16, _hist, 0)

            pltpu.make_async_copy(m_hbm.at[src_v.at[pl.ds(j * K, K)]],
                                  rows2.at[p], sems.at[p]).wait()
            pltpu.sync_copy(rows2.at[p], zsh.at[dst2_v.at[j]], add=True)
            return 0
        lax.fori_loop(0, nblk, _blk, 0)
        return 0
    lax.fori_loop(0, 2, _half, 0)

    plsc.subcore_barrier()

    sl = pl.ds(s * RPC, RPC)
    pltpu.sync_copy(zsh.at[sl], z_out.at[pl.ds(base + s * RPC, RPC)])
    pltpu.sync_copy(hist_v, deg_out.at[c, s])


def _sc_edge_pass(m_pad, ei):
    mesh = plsc.VectorSubcoreMesh(
        core_axis_name="c", subcore_axis_name="s",
        num_cores=NC, num_subcores=NS,
    )
    return pl.kernel(
        _sc_edge_body,
        out_type=(
            jax.ShapeDtypeStruct((N_PAD, D), jnp.float32),
            jax.ShapeDtypeStruct((NC, NS, NH), jnp.float32),
        ),
        mesh=mesh,
        scratch_types=[
            pltpu.VMEM((EPH + 16,), jnp.int32),
            pltpu.VMEM((EPH + 16,), jnp.int32),
            pltpu.VMEM((NBH, K), jnp.int32),
            pltpu.VMEM((3, K, D), jnp.float32),
            pltpu.VMEM((NH,), jnp.float32),
            pltpu.VMEM_SHARED((ZROWS, D), jnp.float32),
            pltpu.SemaphoreType.DMA((3,)),
        ],
        compiler_params=pltpu.CompilerParams(needs_layout_passes=False),
    )(m_pad, ei)


def _update_body(z_ref, d_ref, x_ref, w_ref, b_ref, o_ref):
    ones_cols = jnp.ones((NS, D), jnp.float32)
    deg_mat = lax.dot_general(
        d_ref[0], ones_cols, (((0,), (0,)), ((), ())),
        preferred_element_type=jnp.float32,
    )
    z = z_ref[:] / jnp.maximum(deg_mat, 1.0)
    o_ref[:] = jax.nn.relu(
        jnp.dot(z, w_ref[:], preferred_element_type=jnp.float32) + b_ref[:]
    ) + x_ref[:]


def _node_update(z, deg, x, Wu, bu2):
    return pl.pallas_call(
        _update_body,
        grid=(N_PAD // TCB,),
        in_specs=[
            pl.BlockSpec((TCB, D), lambda i: (i, 0)),
            pl.BlockSpec(
                (1, NS, TCB),
                lambda i: (i // (NH // TCB), 0, i % (NH // TCB)),
            ),
            pl.BlockSpec((TCB, D), lambda i: (i, 0)),
            pl.BlockSpec((D, D), lambda i: (0, 0)),
            pl.BlockSpec((1, D), lambda i: (0, 0)),
        ],
        out_specs=pl.BlockSpec((TCB, D), lambda i: (i, 0)),
        out_shape=jax.ShapeDtypeStruct((N, D), jnp.float32),
    )(z, deg, x, Wu, bu2)


def kernel(x, edge_index, Wp, bp, Wu, bu):
    x = x.astype(jnp.float32)
    ei = edge_index.astype(jnp.int32)

    m_pad = _msg_precompute(x, Wp, bp.reshape(1, D))
    z, deg = _sc_edge_pass(m_pad, ei)
    return _node_update(z, deg, x, Wu, bu.reshape(1, D))

# --- scband reference (transcript-rebuilt; emitter-appended) ---
"""Pipeline reference for scband-mplayer-ne-49701361549769 (READ-ONLY COPY).

The authoritative reference and input builder live on the scoring server;
editing this copy changes nothing except your own understanding.
"""

import jax, jax.numpy as jnp
import numpy as np

N = 10000
E = 320000
D = 128

def setup_inputs(seed: int = 0):
    key = jax.random.key(seed)
    k1, k2, k3, k4, k5, k6 = jax.random.split(key, 6)
    x = jax.random.normal(k1, (N, D), dtype=jnp.float32)
    edge_index = jax.random.randint(k2, (2, E), 0, N)
    s = 1.0 / np.sqrt(D)
    Wp = jax.random.uniform(k3, (D, D), jnp.float32, -s, s)
    bp = jax.random.uniform(k4, (D,), jnp.float32, -s, s)
    Wu = jax.random.uniform(k5, (D, D), jnp.float32, -s, s)
    bu = jax.random.uniform(k6, (D,), jnp.float32, -s, s)
    return {"x": x, "edge_index": edge_index, "Wp": Wp, "bp": bp, "Wu": Wu, "bu": bu}

def reference(x, edge_index, Wp, bp, Wu, bu):
    # msg_func: msg = relu(pre_layer(x[src]))
    src = edge_index[0]
    dst = edge_index[1]
    msg = jax.nn.relu(jnp.take(x, src, axis=0) @ Wp + bp)
    # reduce: fn.mean('m', 'z') -> mean over incoming edges per dst node
    z_sum = jax.ops.segment_sum(msg, dst, num_segments=N)
    deg = jax.ops.segment_sum(jnp.ones((E,), dtype=x.dtype), dst, num_segments=N)
    z = z_sum / jnp.maximum(deg, 1.0)[:, None]
    # node_update: h = relu(update_layer(z)) + y
    h = jax.nn.relu(z @ Wu + bu) + x
    return h

if __name__ == "__main__":
    import jax
    _d = setup_inputs()
    print(jax.jit(kernel)(*tuple(_d.values())))

</pallas_src>

<mosaic_0001>
#map = affine_map<(d0, d1) -> (0, 0)>
#map1 = affine_map<(d0, d1) -> (0, 0, 0)>
module attributes {stable_mosaic.version = 14 : i64} {
  func.func @_sc_edge_body(%arg0: i32, %arg1: i32, %arg2: memref<10240x128xf32, #tpu.memory_space<hbm>>, %arg3: memref<2x320000xi32, #tpu.memory_space<hbm>>, %arg4: memref<10240x128xf32, #tpu.memory_space<hbm>>, %arg5: memref<2x16x5120xf32, #tpu.memory_space<hbm>>, %arg6: memref<10128xi32, #tpu.memory_space<vmem>>, %arg7: memref<10128xi32, #tpu.memory_space<vmem>>, %arg8: memref<79x128xi32, #tpu.memory_space<vmem>>, %arg9: memref<3x128x128xf32, #tpu.memory_space<vmem>>, %arg10: memref<5120xf32, #tpu.memory_space<vmem>>, %arg11: memref<5248x128xf32, #tpu.memory_space<vmem_shared>>, %arg12: memref<3x!tpu.dma_semaphore, #tpu.memory_space<semaphore_mem>>) attributes {dimension_semantics = [#tpu.dimension_semantics<core_parallel>, #tpu.dimension_semantics<subcore_parallel>], iteration_bounds = array<i64: 2, 16>, scalar_prefetch = 0 : i64, scratch_operands = 7 : i64, tpu.core_type = #tpu.core_type<sc_vector_subcore>, window_params = [{transform_indices = #map}, {transform_indices = #map}, {transform_indices = #map}, {transform_indices = #map1}]} {
    %broadcast_in_dim3A = arith.constant 0.000000e+00 : f32
    %broadcast_in_dim3A_0 = vector.broadcast %broadcast_in_dim3A : f32 to vector<16xf32>
    %broadcast_in_dim3A_1 = arith.constant 1.000000e+00 : f32
    %broadcast_in_dim3A_2 = vector.broadcast %broadcast_in_dim3A_1 : f32 to vector<16xf32>
    %iota3A = tpu.iota {dimensions = array<i32: 0>} : vector<16xi32>
    %mul3A = arith.constant 5120 : i32
    %mul3A_3 = arith.muli %arg0, %mul3A : i32
    %scan3A = arith.constant 0 : i32
    %scan3A_4 = arith.constant 0 : i32
    %scan3A_5 = arith.constant 128 : i32
    %scan3A_6 = arith.addi %scan3A_4, %scan3A_5 : i32
    %scan3A_7 = arith.constant 1 : i32
    %scan3A_8 = scf.for %scan3A_36 = %scan3A_4 to %scan3A_6 step %scan3A_7 iter_args(%scan3A_37 = %scan3A) -> (i32)  : i32 {
      %scan3A_38 = arith.constant 0 : i32
      %scan3A_39 = arith.constant 0 : i32
      %scan3A_40 = arith.constant 8 : i32
      %scan3A_41 = arith.addi %scan3A_39, %scan3A_40 : i32
      %scan3A_42 = arith.constant 1 : i32
      %scan3A_43 = scf.for %scan3A_46 = %scan3A_39 to %scan3A_41 step %scan3A_42 iter_args(%scan3A_47 = %scan3A_38) -> (i32)  : i32 {
        %mul3A_48 = arith.constant 16 : i32
        %mul3A_49 = arith.muli %scan3A_46, %mul3A_48 : i32
        %swap3A = arith.constant 0 : i32
        %swap3A_50 = arith.index_cast %swap3A : i32 to index
        %swap3A_51 = arith.index_cast %scan3A_36 : i32 to index
        %swap3A_52 = arith.index_cast %mul3A_49 : i32 to index
        %swap3A_53 = tpu.vector_load %arg9[%swap3A_50, %swap3A_51, %swap3A_52] {strides = array<i32>} : memref<3x128x128xf32, #tpu.memory_space<vmem>>, vector<16xf32>,
        tpu.vector_store %arg9[%swap3A_50, %swap3A_51, %swap3A_52], %broadcast_in_dim3A_0 {strides = array<i32>} : memref<3x128x128xf32, #tpu.memory_space<vmem>>, vector<16xf32>,
        %scan3A_54 = arith.constant 0 : i32
        scf.yield %scan3A_54 : i32
      }
      %scan3A_44 = arith.constant 8 : i32
      %scan3A_45 = arith.constant 0 : i32
      scf.yield %scan3A_45 : i32
    }
    %scan3A_9 = arith.constant 128 : i32
    %scan3A_10 = arith.constant 0 : i32
    %scan3A_11 = arith.constant 0 : i32
    %scan3A_12 = arith.constant 320 : i32
    %scan3A_13 = arith.addi %scan3A_11, %scan3A_12 : i32
    %scan3A_14 = arith.constant 1 : i32
    %scan3A_15 = scf.for %scan3A_36 = %scan3A_11 to %scan3A_13 step %scan3A_14 iter_args(%scan3A_37 = %scan3A_10) -> (i32)  : i32 {
      %mul3A_38 = arith.constant 16 : i32
      %mul3A_39 = arith.muli %scan3A_36, %mul3A_38 : i32
      %swap3A = arith.index_cast %mul3A_39 : i32 to index
      %swap3A_40 = tpu.vector_load %arg10[%swap3A] {strides = array<i32>} : memref<5120xf32, #tpu.memory_space<vmem>>, vector<16xf32>,
      tpu.vector_store %arg10[%swap3A], %broadcast_in_dim3A_0 {strides = array<i32>} : memref<5120xf32, #tpu.memory_space<vmem>>, vector<16xf32>,
      %scan3A_41 = arith.constant 0 : i32
      scf.yield %scan3A_41 : i32
    }
    %scan3A_16 = arith.constant 320 : i32
    %scan3A_17 = arith.constant 0 : i32
    %scan3A_18 = arith.constant 0 : i32
    %scan3A_19 = arith.constant 3 : i32
    %scan3A_20 = arith.addi %scan3A_18, %scan3A_19 : i32
    %scan3A_21 = arith.constant 1 : i32
    %scan3A_22 = scf.for %scan3A_36 = %scan3A_18 to %scan3A_20 step %scan3A_21 iter_args(%scan3A_37 = %scan3A_17) -> (i32)  : i32 {
      %mul3A_38 = arith.constant 16 : i32
      %mul3A_39 = arith.muli %scan3A_36, %mul3A_38 : i32
      %add3A_40 = arith.addi %mul3A_39, %arg1 : i32
      %lt3A = arith.constant 41 : i32
      %lt3A_41 = arith.cmpi slt, %add3A_40, %lt3A : i32
      %convert_element_type3A = arith.extui %lt3A_41 : i1 to i32
      %cond3A = arith.constant 0 : i32
      %cond3A_42 = arith.cmpi ne, %convert_element_type3A, %cond3A : i32
      scf.if %cond3A_42 {
        %mul3A_44 = arith.constant 128 : i32
        %mul3A_45 = arith.muli %add3A_40, %mul3A_44 : i32
        %run_scoped3A = arith.constant 0 : i32
        "tpu.region"() ({
          %run_scoped3A_46 = tpu.sem_alloc : memref<!tpu.dma_semaphore, #tpu.memory_space<semaphore_mem>>
          %dma_start3A = arith.constant 0 : i32
          %dma_start3A_47 = arith.constant 0 : i32
          %dma_start3A_48 = tpu.memref_slice %arg9[%run_scoped3A, %dma_start3A, %dma_start3A_47] : memref<3x128x128xf32, #tpu.memory_space<vmem>> -> memref<1x128x128xf32, #tpu.memory_space<vmem>>
          %dma_start3A_49 = tpu.memref_squeeze %dma_start3A_48 : memref<1x128x128xf32, #tpu.memory_space<vmem>> -> memref<128x128xf32, #tpu.memory_space<vmem>>
          %dma_start3A_50 = arith.constant 0 : i32
          %dma_start3A_51 = tpu.memref_slice %arg11[%mul3A_45, %dma_start3A_50] : memref<5248x128xf32, #tpu.memory_space<vmem_shared>> -> memref<128x128xf32, #tpu.memory_space<vmem_shared>>
          %dma_start3A_52 = arith.constant 0 : i32
          %dma_start3A_53 = tpu.memref_slice %arg11[%mul3A_45, %dma_start3A_52] : memref<5248x128xf32, #tpu.memory_space<vmem_shared>> -> memref<128x128xf32, #tpu.memory_space<vmem_shared>>
          %dma_start3A_54 = arith.constant 0 : i32
          %dma_start3A_55 = arith.constant 0 : i32
          %dma_start3A_56 = tpu.memref_slice %arg9[%run_scoped3A, %dma_start3A_54, %dma_start3A_55] : memref<3x128x128xf32, #tpu.memory_space<vmem>> -> memref<1x128x128xf32, #tpu.memory_space<vmem>>
          %dma_start3A_57 = tpu.memref_squeeze %dma_start3A_56 : memref<1x128x128xf32, #tpu.memory_space<vmem>> -> memref<128x128xf32, #tpu.memory_space<vmem>>
          tpu.enqueue_dma source(%dma_start3A_57 : memref<128x128xf32, #tpu.memory_space<vmem>>) target(%dma_start3A_53 : memref<128x128xf32, #tpu.memory_space<vmem_shared>>) target_semaphore(%run_scoped3A_46 : memref<!tpu.dma_semaphore, #tpu.memory_space<semaphore_mem>>)
          %dma_wait3A = arith.constant 0 : i32
          %dma_wait3A_58 = arith.constant 0 : i32
          %dma_wait3A_59 = tpu.memref_slice %arg9[%run_scoped3A, %dma_wait3A, %dma_wait3A_58] : memref<3x128x128xf32, #tpu.memory_space<vmem>> -> memref<1x128x128xf32, #tpu.memory_space<vmem>>
          %dma_wait3A_60 = tpu.memref_squeeze %dma_wait3A_59 : memref<1x128x128xf32, #tpu.memory_space<vmem>> -> memref<128x128xf32, #tpu.memory_space<vmem>>
          %dma_wait3A_61 = arith.constant 0 : i32
          %dma_wait3A_62 = tpu.memref_slice %arg11[%mul3A_45, %dma_wait3A_61] : memref<5248x128xf32, #tpu.memory_space<vmem_shared>> -> memref<128x128xf32, #tpu.memory_space<vmem_shared>>
          %dma_wait3A_63 = arith.constant 0 : i32
          %dma_wait3A_64 = tpu.memref_slice %arg11[%mul3A_45, %dma_wait3A_63] : memref<5248x128xf32, #tpu.memory_space<vmem_shared>> -> memref<128x128xf32, #tpu.memory_space<vmem_shared>>
          %dma_wait3A_65 = arith.constant 0 : i32
          %dma_wait3A_66 = arith.constant 0 : i32
          %dma_wait3A_67 = tpu.memref_slice %arg9[%run_scoped3A, %dma_wait3A_65, %dma_wait3A_66] : memref<3x128x128xf32, #tpu.memory_space<vmem>> -> memref<1x128x128xf32, #tpu.memory_space<vmem>>
          %dma_wait3A_68 = tpu.memref_squeeze %dma_wait3A_67 : memref<1x128x128xf32, #tpu.memory_space<vmem>> -> memref<128x128xf32, #tpu.memory_space<vmem>>
          tpu.wait_dma2 semaphore(%run_scoped3A_46 : memref<!tpu.dma_semaphore, #tpu.memory_space<semaphore_mem>>) src(%dma_wait3A_68 : memref<128x128xf32, #tpu.memory_space<vmem>>) dst(%dma_wait3A_64 : memref<128x128xf32, #tpu.memory_space<vmem_shared>>)
          tpu.yield
        }) : () -> ()
      } else {
      }
      %scan3A_43 = arith.constant 0 : i32
      scf.yield %scan3A_43 : i32
    }
    %scan3A_23 = arith.constant 3 : i32
    %barrier3A = arith.constant 0 : index
    tpu.barrier barrier_id(%barrier3A)
    %scan3A_24 = arith.constant 0 : i32
    %scan3A_25 = arith.constant 0 : i32
    %scan3A_26 = arith.constant 2 : i32
    %scan3A_27 = arith.addi %scan3A_25, %scan3A_26 : i32
    %scan3A_28 = arith.constant 1 : i32
    %scan3A_29 = scf.for %scan3A_36 = %scan3A_25 to %scan3A_27 step %scan3A_28 iter_args(%scan3A_37 = %scan3A_24) -> (i32)  : i32 {
      %mul3A_38 = arith.constant 20224 : i32
      %mul3A_39 = arith.muli %arg1, %mul3A_38 : i32
      %mul3A_40 = arith.constant 10112 : i32
      %mul3A_41 = arith.muli %scan3A_36, %mul3A_40 : i32
      %add3A_42 = arith.addi %mul3A_39, %mul3A_41 : i32
      %min3A = arith.constant 309888 : i32
      %min3A_43 = arith.minsi %add3A_42, %min3A : i32
      %sub3A = arith.subi %add3A_42, %min3A_43 : i32
      %run_scoped3A = arith.constant 0 : i32
      "tpu.region"() ({
        %run_scoped3A_142 = tpu.sem_alloc : memref<!tpu.dma_semaphore, #tpu.memory_space<semaphore_mem>>
        %dma_start3A = arith.constant 0 : i32
        %dma_start3A_143 = tpu.memref_slice %arg6[%dma_start3A] : memref<10128xi32, #tpu.memory_space<vmem>> -> memref<10112xi32, #tpu.memory_space<vmem>>
        %dma_start3A_144 = tpu.memref_slice %arg3[%run_scoped3A, %min3A_43] : memref<2x320000xi32, #tpu.memory_space<hbm>> -> memref<1x10112xi32, #tpu.memory_space<hbm>>
        %dma_start3A_145 = tpu.memref_squeeze %dma_start3A_144 : memref<1x10112xi32, #tpu.memory_space<hbm>> -> memref<10112xi32, #tpu.memory_space<hbm>>
        %dma_start3A_146 = arith.constant 0 : i32
        %dma_start3A_147 = tpu.memref_slice %arg6[%dma_start3A_146] : memref<10128xi32, #tpu.memory_space<vmem>> -> memref<10112xi32, #tpu.memory_space<vmem>>
        %dma_start3A_148 = tpu.memref_slice %arg3[%run_scoped3A, %min3A_43] : memref<2x320000xi32, #tpu.memory_space<hbm>> -> memref<1x10112xi32, #tpu.memory_space<hbm>>
        %dma_start3A_149 = tpu.memref_squeeze %dma_start3A_148 : memref<1x10112xi32, #tpu.memory_space<hbm>> -> memref<10112xi32, #tpu.memory_space<hbm>>
        tpu.enqueue_dma source(%dma_start3A_149 : memref<10112xi32, #tpu.memory_space<hbm>>) target(%dma_start3A_147 : memref<10112xi32, #tpu.memory_space<vmem>>) target_semaphore(%run_scoped3A_142 : memref<!tpu.dma_semaphore, #tpu.memory_space<semaphore_mem>>)
        %dma_wait3A = arith.constant 0 : i32
        %dma_wait3A_150 = tpu.memref_slice %arg6[%dma_wait3A] : memref<10128xi32, #tpu.memory_space<vmem>> -> memref<10112xi32, #tpu.memory_space<vmem>>
        %dma_wait3A_151 = tpu.memref_slice %arg3[%run_scoped3A, %min3A_43] : memref<2x320000xi32, #tpu.memory_space<hbm>> -> memref<1x10112xi32, #tpu.memory_space<hbm>>
        %dma_wait3A_152 = tpu.memref_squeeze %dma_wait3A_151 : memref<1x10112xi32, #tpu.memory_space<hbm>> -> memref<10112xi32, #tpu.memory_space<hbm>>
        %dma_wait3A_153 = arith.constant 0 : i32
        %dma_wait3A_154 = tpu.memref_slice %arg6[%dma_wait3A_153] : memref<10128xi32, #tpu.memory_space<vmem>> -> memref<10112xi32, #tpu.memory_space<vmem>>
        %dma_wait3A_155 = tpu.memref_slice %arg3[%run_scoped3A, %min3A_43] : memref<2x320000xi32, #tpu.memory_space<hbm>> -> memref<1x10112xi32, #tpu.memory_space<hbm>>
        %dma_wait3A_156 = tpu.memref_squeeze %dma_wait3A_155 : memref<1x10112xi32, #tpu.memory_space<hbm>> -> memref<10112xi32, #tpu.memory_space<hbm>>
        tpu.wait_dma2 semaphore(%run_scoped3A_142 : memref<!tpu.dma_semaphore, #tpu.memory_space<semaphore_mem>>) src(%dma_wait3A_156 : memref<10112xi32, #tpu.memory_space<hbm>>) dst(%dma_wait3A_154 : memref<10112xi32, #tpu.memory_space<vmem>>)
        tpu.yield
      }) : () -> ()
      %run_scoped3A_44 = arith.constant 1 : i32
      "tpu.region"() ({
        %run_scoped3A_142 = tpu.sem_alloc : memref<!tpu.dma_semaphore, #tpu.memory_space<semaphore_mem>>
        %dma_start3A = arith.constant 0 : i32
        %dma_start3A_143 = tpu.memref_slice %arg7[%dma_start3A] : memref<10128xi32, #tpu.memory_space<vmem>> -> memref<10112xi32, #tpu.memory_space<vmem>>
        %dma_start3A_144 = tpu.memref_slice %arg3[%run_scoped3A_44, %min3A_43] : memref<2x320000xi32, #tpu.memory_space<hbm>> -> memref<1x10112xi32, #tpu.memory_space<hbm>>
        %dma_start3A_145 = tpu.memref_squeeze %dma_start3A_144 : memref<1x10112xi32, #tpu.memory_space<hbm>> -> memref<10112xi32, #tpu.memory_space<hbm>>
        %dma_start3A_146 = arith.constant 0 : i32
        %dma_start3A_147 = tpu.memref_slice %arg7[%dma_start3A_146] : memref<10128xi32, #tpu.memory_space<vmem>> -> memref<10112xi32, #tpu.memory_space<vmem>>
        %dma_start3A_148 = tpu.memref_slice %arg3[%run_scoped3A_44, %min3A_43] : memref<2x320000xi32, #tpu.memory_space<hbm>> -> memref<1x10112xi32, #tpu.memory_space<hbm>>
        %dma_start3A_149 = tpu.memref_squeeze %dma_start3A_148 : memref<1x10112xi32, #tpu.memory_space<hbm>> -> memref<10112xi32, #tpu.memory_space<hbm>>
        tpu.enqueue_dma source(%dma_start3A_149 : memref<10112xi32, #tpu.memory_space<hbm>>) target(%dma_start3A_147 : memref<10112xi32, #tpu.memory_space<vmem>>) target_semaphore(%run_scoped3A_142 : memref<!tpu.dma_semaphore, #tpu.memory_space<semaphore_mem>>)
        %dma_wait3A = arith.constant 0 : i32
        %dma_wait3A_150 = tpu.memref_slice %arg7[%dma_wait3A] : memref<10128xi32, #tpu.memory_space<vmem>> -> memref<10112xi32, #tpu.memory_space<vmem>>
        %dma_wait3A_151 = tpu.memref_slice %arg3[%run_scoped3A_44, %min3A_43] : memref<2x320000xi32, #tpu.memory_space<hbm>> -> memref<1x10112xi32, #tpu.memory_space<hbm>>
        %dma_wait3A_152 = tpu.memref_squeeze %dma_wait3A_151 : memref<1x10112xi32, #tpu.memory_space<hbm>> -> memref<10112xi32, #tpu.memory_space<hbm>>
        %dma_wait3A_153 = arith.constant 0 : i32
        %dma_wait3A_154 = tpu.memref_slice %arg7[%dma_wait3A_153] : memref<10128xi32, #tpu.memory_space<vmem>> -> memref<10112xi32, #tpu.memory_space<vmem>>
        %dma_wait3A_155 = tpu.memref_slice %arg3[%run_scoped3A_44, %min3A_43] : memref<2x320000xi32, #tpu.memory_space<hbm>> -> memref<1x10112xi32, #tpu.memory_space<hbm>>
        %dma_wait3A_156 = tpu.memref_squeeze %dma_wait3A_155 : memref<1x10112xi32, #tpu.memory_space<hbm>> -> memref<10112xi32, #tpu.memory_space<hbm>>
        tpu.wait_dma2 semaphore(%run_scoped3A_142 : memref<!tpu.dma_semaphore, #tpu.memory_space<semaphore_mem>>) src(%dma_wait3A_156 : memref<10112xi32, #tpu.memory_space<hbm>>) dst(%dma_wait3A_154 : memref<10112xi32, #tpu.memory_space<vmem>>)
        tpu.yield
      }) : () -> ()
      %scan3A_45 = arith.constant 0 : i32
      %scan3A_46 = arith.constant 0 : i32
      %scan3A_47 = arith.constant 632 : i32
      %scan3A_48 = arith.addi %scan3A_46, %scan3A_47 : i32
      %scan3A_49 = arith.constant 4 : i32
      %scan3A_50 = scf.for %scan3A_142 = %scan3A_46 to %scan3A_48 step %scan3A_49 iter_args(%scan3A_143 = %scan3A_45) -> (i32)  : i32 {
        %mul3A_144 = arith.constant 16 : i32
        %mul3A_145 = arith.muli %scan3A_142, %mul3A_144 : i32
        %get3A = arith.index_cast %mul3A_145 : i32 to index
        %get3A_146 = tpu.vector_load %arg6[%get3A] {strides = array<i32>} : memref<10128xi32, #tpu.memory_space<vmem>>, vector<16xi32>,
        %mul3A_147 = arith.constant 16 : i32
        %mul3A_148 = arith.muli %scan3A_142, %mul3A_147 : i32
        %get3A_149 = arith.index_cast %mul3A_148 : i32 to index
        %get3A_150 = tpu.vector_load %arg7[%get3A_149] {strides = array<i32>} : memref<10128xi32, #tpu.memory_space<vmem>>, vector<16xi32>,
        %sub3A_151 = vector.broadcast %mul3A_3 : i32 to vector<16xi32>
        %sub3A_152 = arith.subi %get3A_150, %sub3A_151 : vector<16xi32>
        %ge3A = arith.constant 0 : i32
        %ge3A_153 = vector.broadcast %ge3A : i32 to vector<16xi32>
        %ge3A_154 = arith.cmpi sge, %sub3A_152, %ge3A_153 : vector<16xi32>
        %lt3A = arith.constant 5120 : i32
        %lt3A_155 = vector.broadcast %lt3A : i32 to vector<16xi32>
        %lt3A_156 = arith.cmpi slt, %sub3A_152, %lt3A_155 : vector<16xi32>
        %and3A_157 = arith.andi %ge3A_154, %lt3A_156 : vector<16xi1>
        %mul3A_158 = arith.constant 16 : i32
        %mul3A_159 = arith.muli %scan3A_142, %mul3A_158 : i32
        %add3A_160 = vector.broadcast %mul3A_159 : i32 to vector<16xi32>
        %add3A_161 = arith.addi %add3A_160, %iota3A : vector<16xi32>
        %ge3A_162 = vector.broadcast %sub3A : i32 to vector<16xi32>
        %ge3A_163 = arith.cmpi sge, %add3A_161, %ge3A_162 : vector<16xi32>
        %and3A_164 = arith.andi %and3A_157, %ge3A_163 : vector<16xi1>
        %swap3A = arith.index_cast %scan3A_143 : i32 to index
        %swap3A_165 = tpu.vector_load %arg6[%swap3A] masked %and3A_164 {strides = array<i32>} : memref<10128xi32, #tpu.memory_space<vmem>>, vector<16xi32>, vector<16xi1>
        tpu.vector_store %arg6[%swap3A], %get3A_146 masked %and3A_164 {strides = array<i32>} : memref<10128xi32, #tpu.memory_space<vmem>>, vector<16xi32>, vector<16xi1>
        %swap3A_166 = arith.index_cast %scan3A_143 : i32 to index
        %swap3A_167 = tpu.vector_load %arg7[%swap3A_166] masked %and3A_164 {strides = array<i32>} : memref<10128xi32, #tpu.memory_space<vmem>>, vector<16xi32>, vector<16xi1>
        tpu.vector_store %arg7[%swap3A_166], %sub3A_152 masked %and3A_164 {strides = array<i32>} : memref<10128xi32, #tpu.memory_space<vmem>>, vector<16xi32>, vector<16xi1>
        %all_reduce_population_count3A = tpu.all_reduce %and3A_164 {dim = 0 : i64, kind = #tpu.reduction_kind<sum>} : vector<16xi1> -> vector<16xi32>
        %slice3A = vector.extract_strided_slice %all_reduce_population_count3A {offsets = [0], sizes = [1], strides = [1]} : vector<16xi32> to vector<1xi32>
        %squeeze3A = vector.extract %slice3A[0] : i32 from vector<1xi32>
        %add3A_168 = arith.addi %scan3A_143, %squeeze3A : i32
        %scan3A_169 = arith.constant 1 : i32
        %scan3A_170 = arith.addi %scan3A_142, %scan3A_169 : i32
        %mul3A_171 = arith.constant 16 : i32
        %mul3A_172 = arith.muli %scan3A_170, %mul3A_171 : i32
        %get3A_173 = arith.index_cast %mul3A_172 : i32 to index
        %get3A_174 = tpu.vector_load %arg6[%get3A_173] {strides = array<i32>} : memref<10128xi32, #tpu.memory_space<vmem>>, vector<16xi32>,
        %mul3A_175 = arith.constant 16 : i32
        %mul3A_176 = arith.muli %scan3A_170, %mul3A_175 : i32
        %get3A_177 = arith.index_cast %mul3A_176 : i32 to index
        %get3A_178 = tpu.vector_load %arg7[%get3A_177] {strides = array<i32>} : memref<10128xi32, #tpu.memory_space<vmem>>, vector<16xi32>,
        %sub3A_179 = vector.broadcast %mul3A_3 : i32 to vector<16xi32>
        %sub3A_180 = arith.subi %get3A_178, %sub3A_179 : vector<16xi32>
        %ge3A_181 = arith.constant 0 : i32
        %ge3A_182 = vector.broadcast %ge3A_181 : i32 to vector<16xi32>
        %ge3A_183 = arith.cmpi sge, %sub3A_180, %ge3A_182 : vector<16xi32>
        %lt3A_184 = arith.constant 5120 : i32
        %lt3A_185 = vector.broadcast %lt3A_184 : i32 to vector<16xi32>
        %lt3A_186 = arith.cmpi slt, %sub3A_180, %lt3A_185 : vector<16xi32>
        %and3A_187 = arith.andi %ge3A_183, %lt3A_186 : vector<16xi1>
        %mul3A_188 = arith.constant 16 : i32
        %mul3A_189 = arith.muli %scan3A_170, %mul3A_188 : i32
        %add3A_190 = vector.broadcast %mul3A_189 : i32 to vector<16xi32>
        %add3A_191 = arith.addi %add3A_190, %iota3A : vector<16xi32>
        %ge3A_192 = vector.broadcast %sub3A : i32 to vector<16xi32>
        %ge3A_193 = arith.cmpi sge, %add3A_191, %ge3A_192 : vector<16xi32>
        %and3A_194 = arith.andi %and3A_187, %ge3A_193 : vector<16xi1>
        %swap3A_195 = arith.index_cast %add3A_168 : i32 to index
        %swap3A_196 = tpu.vector_load %arg6[%swap3A_195] masked %and3A_194 {strides = array<i32>} : memref<10128xi32, #tpu.memory_space<vmem>>, vector<16xi32>, vector<16xi1>
        tpu.vector_store %arg6[%swap3A_195], %get3A_174 masked %and3A_194 {strides = array<i32>} : memref<10128xi32, #tpu.memory_space<vmem>>, vector<16xi32>, vector<16xi1>
        %swap3A_197 = arith.index_cast %add3A_168 : i32 to index
        %swap3A_198 = tpu.vector_load %arg7[%swap3A_197] masked %and3A_194 {strides = array<i32>} : memref<10128xi32, #tpu.memory_space<vmem>>, vector<16xi32>, vector<16xi1>
        tpu.vector_store %arg7[%swap3A_197], %sub3A_180 masked %and3A_194 {strides = array<i32>} : memref<10128xi32, #tpu.memory_space<vmem>>, vector<16xi32>, vector<16xi1>
        %all_reduce_population_count3A_199 = tpu.all_reduce %and3A_194 {dim = 0 : i64, kind = #tpu.reduction_kind<sum>} : vector<16xi1> -> vector<16xi32>
        %slice3A_200 = vector.extract_strided_slice %all_reduce_population_count3A_199 {offsets = [0], sizes = [1], strides = [1]} : vector<16xi32> to vector<1xi32>
        %squeeze3A_201 = vector.extract %slice3A_200[0] : i32 from vector<1xi32>
        %add3A_202 = arith.addi %add3A_168, %squeeze3A_201 : i32
        %scan3A_203 = arith.constant 2 : i32
        %scan3A_204 = arith.addi %scan3A_142, %scan3A_203 : i32
        %mul3A_205 = arith.constant 16 : i32
        %mul3A_206 = arith.muli %scan3A_204, %mul3A_205 : i32
        %get3A_207 = arith.index_cast %mul3A_206 : i32 to index
        %get3A_208 = tpu.vector_load %arg6[%get3A_207] {strides = array<i32>} : memref<10128xi32, #tpu.memory_space<vmem>>, vector<16xi32>,
        %mul3A_209 = arith.constant 16 : i32
        %mul3A_210 = arith.muli %scan3A_204, %mul3A_209 : i32
        %get3A_211 = arith.index_cast %mul3A_210 : i32 to index
        %get3A_212 = tpu.vector_load %arg7[%get3A_211] {strides = array<i32>} : memref<10128xi32, #tpu.memory_space<vmem>>, vector<16xi32>,
        %sub3A_213 = vector.broadcast %mul3A_3 : i32 to vector<16xi32>
        %sub3A_214 = arith.subi %get3A_212, %sub3A_213 : vector<16xi32>
        %ge3A_215 = arith.constant 0 : i32
        %ge3A_216 = vector.broadcast %ge3A_215 : i32 to vector<16xi32>
        %ge3A_217 = arith.cmpi sge, %sub3A_214, %ge3A_216 : vector<16xi32>
        %lt3A_218 = arith.constant 5120 : i32
        %lt3A_219 = vector.broadcast %lt3A_218 : i32 to vector<16xi32>
        %lt3A_220 = arith.cmpi slt, %sub3A_214, %lt3A_219 : vector<16xi32>
        %and3A_221 = arith.andi %ge3A_217, %lt3A_220 : vector<16xi1>
        %mul3A_222 = arith.constant 16 : i32
        %mul3A_223 = arith.muli %scan3A_204, %mul3A_222 : i32
        %add3A_224 = vector.broadcast %mul3A_223 : i32 to vector<16xi32>
        %add3A_225 = arith.addi %add3A_224, %iota3A : vector<16xi32>
        %ge3A_226 = vector.broadcast %sub3A : i32 to vector<16xi32>
        %ge3A_227 = arith.cmpi sge, %add3A_225, %ge3A_226 : vector<16xi32>
        %and3A_228 = arith.andi %and3A_221, %ge3A_227 : vector<16xi1>
        %swap3A_229 = arith.index_cast %add3A_202 : i32 to index
        %swap3A_230 = tpu.vector_load %arg6[%swap3A_229] masked %and3A_228 {strides = array<i32>} : memref<10128xi32, #tpu.memory_space<vmem>>, vector<16xi32>, vector<16xi1>
        tpu.vector_store %arg6[%swap3A_229], %get3A_208 masked %and3A_228 {strides = array<i32>} : memref<10128xi32, #tpu.memory_space<vmem>>, vector<16xi32>, vector<16xi1>
        %swap3A_231 = arith.index_cast %add3A_202 : i32 to index
        %swap3A_232 = tpu.vector_load %arg7[%swap3A_231] masked %and3A_228 {strides = array<i32>} : memref<10128xi32, #tpu.memory_space<vmem>>, vector<16xi32>, vector<16xi1>
        tpu.vector_store %arg7[%swap3A_231], %sub3A_214 masked %and3A_228 {strides = array<i32>} : memref<10128xi32, #tpu.memory_space<vmem>>, vector<16xi32>, vector<16xi1>
        %all_reduce_population_count3A_233 = tpu.all_reduce %and3A_228 {dim = 0 : i64, kind = #tpu.reduction_kind<sum>} : vector<16xi1> -> vector<16xi32>
        %slice3A_234 = vector.extract_strided_slice %all_reduce_population_count3A_233 {offsets = [0], sizes = [1], strides = [1]} : vector<16xi32> to vector<1xi32>
        %squeeze3A_235 = vector.extract %slice3A_234[0] : i32 from vector<1xi32>
        %add3A_236 = arith.addi %add3A_202, %squeeze3A_235 : i32
        %scan3A_237 = arith.constant 3 : i32
        %scan3A_238 = arith.addi %scan3A_142, %scan3A_237 : i32
        %mul3A_239 = arith.constant 16 : i32
        %mul3A_240 = arith.muli %scan3A_238, %mul3A_239 : i32
        %get3A_241 = arith.index_cast %mul3A_240 : i32 to index
        %get3A_242 = tpu.vector_load %arg6[%get3A_241] {strides = array<i32>} : memref<10128xi32, #tpu.memory_space<vmem>>, vector<16xi32>,
        %mul3A_243 = arith.constant 16 : i32
        %mul3A_244 = arith.muli %scan3A_238, %mul3A_243 : i32
        %get3A_245 = arith.index_cast %mul3A_244 : i32 to index
        %get3A_246 = tpu.vector_load %arg7[%get3A_245] {strides = array<i32>} : memref<10128xi32, #tpu.memory_space<vmem>>, vector<16xi32>,
        %sub3A_247 = vector.broadcast %mul3A_3 : i32 to vector<16xi32>
        %sub3A_248 = arith.subi %get3A_246, %sub3A_247 : vector<16xi32>
        %ge3A_249 = arith.constant 0 : i32
        %ge3A_250 = vector.broadcast %ge3A_249 : i32 to vector<16xi32>
        %ge3A_251 = arith.cmpi sge, %sub3A_248, %ge3A_250 : vector<16xi32>
        %lt3A_252 = arith.constant 5120 : i32
        %lt3A_253 = vector.broadcast %lt3A_252 : i32 to vector<16xi32>
        %lt3A_254 = arith.cmpi slt, %sub3A_248, %lt3A_253 : vector<16xi32>
        %and3A_255 = arith.andi %ge3A_251, %lt3A_254 : vector<16xi1>
        %mul3A_256 = arith.constant 16 : i32
        %mul3A_257 = arith.muli %scan3A_238, %mul3A_256 : i32
        %add3A_258 = vector.broadcast %mul3A_257 : i32 to vector<16xi32>
        %add3A_259 = arith.addi %add3A_258, %iota3A : vector<16xi32>
        %ge3A_260 = vector.broadcast %sub3A : i32 to vector<16xi32>
        %ge3A_261 = arith.cmpi sge, %add3A_259, %ge3A_260 : vector<16xi32>
        %and3A_262 = arith.andi %and3A_255, %ge3A_261 : vector<16xi1>
        %swap3A_263 = arith.index_cast %add3A_236 : i32 to index
        %swap3A_264 = tpu.vector_load %arg6[%swap3A_263] masked %and3A_262 {strides = array<i32>} : memref<10128xi32, #tpu.memory_space<vmem>>, vector<16xi32>, vector<16xi1>
        tpu.vector_store %arg6[%swap3A_263], %get3A_242 masked %and3A_262 {strides = array<i32>} : memref<10128xi32, #tpu.memory_space<vmem>>, vector<16xi32>, vector<16xi1>
        %swap3A_265 = arith.index_cast %add3A_236 : i32 to index
        %swap3A_266 = tpu.vector_load %arg7[%swap3A_265] masked %and3A_262 {strides = array<i32>} : memref<10128xi32, #tpu.memory_space<vmem>>, vector<16xi32>, vector<16xi1>
        tpu.vector_store %arg7[%swap3A_265], %sub3A_248 masked %and3A_262 {strides = array<i32>} : memref<10128xi32, #tpu.memory_space<vmem>>, vector<16xi32>, vector<16xi1>
        %all_reduce_population_count3A_267 = tpu.all_reduce %and3A_262 {dim = 0 : i64, kind = #tpu.reduction_kind<sum>} : vector<16xi1> -> vector<16xi32>
        %slice3A_268 = vector.extract_strided_slice %all_reduce_population_count3A_267 {offsets = [0], sizes = [1], strides = [1]} : vector<16xi32> to vector<1xi32>
        %squeeze3A_269 = vector.extract %slice3A_268[0] : i32 from vector<1xi32>
        %add3A_270 = arith.addi %add3A_236, %squeeze3A_269 : i32
        scf.yield %add3A_270 : i32
      }
      %scan3A_51 = arith.constant 632 : i32
      %add3A_52 = arith.constant 128 : i32
      %add3A_53 = arith.addi %scan3A_50, %add3A_52 : i32
      %sub3A_54 = arith.constant 1 : i32
      %sub3A_55 = arith.subi %add3A_53, %sub3A_54 : i32
      %jit3A = arith.constant 128 : i32
      %div3A = arith.divsi %sub3A_55, %jit3A : i32
      %sign3A = arith.constant 0 : i32
      %sign3A_56 = arith.cmpi sgt, %sub3A_55, %sign3A : i32
      %sign3A_57 = arith.extui %sign3A_56 : i1 to i32
      %sign3A_58 = arith.constant 0 : i32
      %sign3A_59 = arith.cmpi slt, %sub3A_55, %sign3A_58 : i32
      %sign3A_60 = arith.extui %sign3A_59 : i1 to i32
      %sign3A_61 = arith.subi %sign3A_57, %sign3A_60 : i32
      %sign3A_62 = arith.constant 0 : i32
      %sign3A_63 = arith.cmpi sgt, %jit3A, %sign3A_62 : i32
      %sign3A_64 = arith.extui %sign3A_63 : i1 to i32
      %sign3A_65 = arith.constant 0 : i32
      %sign3A_66 = arith.cmpi slt, %jit3A, %sign3A_65 : i32
      %sign3A_67 = arith.extui %sign3A_66 : i1 to i32
      %sign3A_68 = arith.subi %sign3A_64, %sign3A_67 : i32
      %ne3A = arith.cmpi ne, %sign3A_61, %sign3A_68 : i32
      %rem3A = arith.remsi %sub3A_55, %jit3A : i32
      %ne3A_69 = arith.constant 0 : i32
      %ne3A_70 = arith.cmpi ne, %rem3A, %ne3A_69 : i32
      %and3A = arith.andi %ne3A, %ne3A_70 : i1
      %sub3A_71 = arith.constant 1 : i32
      %sub3A_72 = arith.subi %div3A, %sub3A_71 : i32
      %select_n3A = arith.select %and3A, %sub3A_72, %div3A : i32
      %mul3A_73 = arith.constant 128 : i32
      %mul3A_74 = arith.muli %select_n3A, %mul3A_73 : i32
      %sub3A_75 = arith.subi %mul3A_74, %scan3A_50 : i32
      %gt3A = arith.constant 0 : i32
      %gt3A_76 = arith.cmpi sgt, %sub3A_75, %gt3A : i32
      %convert_element_type3A = arith.extui %gt3A_76 : i1 to i32
      %cond3A = arith.constant 0 : i32
      %cond3A_77 = arith.cmpi ne, %convert_element_type3A, %cond3A : i32
      scf.if %cond3A_77 {
        %add3A_142 = arith.constant 10000 : i32
        %add3A_143 = vector.broadcast %add3A_142 : i32 to vector<16xi32>
        %add3A_144 = arith.addi %add3A_143, %iota3A : vector<16xi32>
        %add3A_145 = arith.constant 0 : i32
        %add3A_146 = vector.broadcast %add3A_145 : i32 to vector<16xi32>
        %add3A_147 = arith.addi %add3A_144, %add3A_146 : vector<16xi32>
        %add3A_148 = arith.constant 0 : i32
        %add3A_149 = arith.addi %scan3A_50, %add3A_148 : i32
        %swap3A = arith.index_cast %add3A_149 : i32 to index
        %swap3A_150 = tpu.vector_load %arg6[%swap3A] {strides = array<i32>} : memref<10128xi32, #tpu.memory_space<vmem>>, vector<16xi32>,
        tpu.vector_store %arg6[%swap3A], %add3A_147 {strides = array<i32>} : memref<10128xi32, #tpu.memory_space<vmem>>, vector<16xi32>,
        %add3A_151 = arith.constant 5120 : i32
        %add3A_152 = vector.broadcast %add3A_151 : i32 to vector<16xi32>
        %add3A_153 = arith.addi %add3A_152, %iota3A : vector<16xi32>
        %add3A_154 = arith.constant 0 : i32
        %add3A_155 = vector.broadcast %add3A_154 : i32 to vector<16xi32>
        %add3A_156 = arith.addi %add3A_153, %add3A_155 : vector<16xi32>
        %add3A_157 = arith.constant 0 : i32
        %add3A_158 = arith.addi %scan3A_50, %add3A_157 : i32
        %swap3A_159 = arith.index_cast %add3A_158 : i32 to index
        %swap3A_160 = tpu.vector_load %arg7[%swap3A_159] {strides = array<i32>} : memref<10128xi32, #tpu.memory_space<vmem>>, vector<16xi32>,
        tpu.vector_store %arg7[%swap3A_159], %add3A_156 {strides = array<i32>} : memref<10128xi32, #tpu.memory_space<vmem>>, vector<16xi32>,
      } else {
      }
      %gt3A_78 = arith.constant 16 : i32
      %gt3A_79 = arith.cmpi sgt, %sub3A_75, %gt3A_78 : i32
      %convert_element_type3A_80 = arith.extui %gt3A_79 : i1 to i32
      %cond3A_81 = arith.constant 0 : i32
      %cond3A_82 = arith.cmpi ne, %convert_element_type3A_80, %cond3A_81 : i32
      scf.if %cond3A_82 {
        %add3A_142 = arith.constant 10000 : i32
        %add3A_143 = vector.broadcast %add3A_142 : i32 to vector<16xi32>
        %add3A_144 = arith.addi %add3A_143, %iota3A : vector<16xi32>
        %add3A_145 = arith.constant 16 : i32
        %add3A_146 = vector.broadcast %add3A_145 : i32 to vector<16xi32>
        %add3A_147 = arith.addi %add3A_144, %add3A_146 : vector<16xi32>
        %add3A_148 = arith.constant 16 : i32
        %add3A_149 = arith.addi %scan3A_50, %add3A_148 : i32
        %swap3A = arith.index_cast %add3A_149 : i32 to index
        %swap3A_150 = tpu.vector_load %arg6[%swap3A] {strides = array<i32>} : memref<10128xi32, #tpu.memory_space<vmem>>, vector<16xi32>,
        tpu.vector_store %arg6[%swap3A], %add3A_147 {strides = array<i32>} : memref<10128xi32, #tpu.memory_space<vmem>>, vector<16xi32>,
        %add3A_151 = arith.constant 5120 : i32
        %add3A_152 = vector.broadcast %add3A_151 : i32 to vector<16xi32>
        %add3A_153 = arith.addi %add3A_152, %iota3A : vector<16xi32>
        %add3A_154 = arith.constant 16 : i32
        %add3A_155 = vector.broadcast %add3A_154 : i32 to vector<16xi32>
        %add3A_156 = arith.addi %add3A_153, %add3A_155 : vector<16xi32>
        %add3A_157 = arith.constant 16 : i32
        %add3A_158 = arith.addi %scan3A_50, %add3A_157 : i32
        %swap3A_159 = arith.index_cast %add3A_158 : i32 to index
        %swap3A_160 = tpu.vector_load %arg7[%swap3A_159] {strides = array<i32>} : memref<10128xi32, #tpu.memory_space<vmem>>, vector<16xi32>,
        tpu.vector_store %arg7[%swap3A_159], %add3A_156 {strides = array<i32>} : memref<10128xi32, #tpu.memory_space<vmem>>, vector<16xi32>,
      } else {
      }
      %gt3A_83 = arith.constant 32 : i32
      %gt3A_84 = arith.cmpi sgt, %sub3A_75, %gt3A_83 : i32
      %convert_element_type3A_85 = arith.extui %gt3A_84 : i1 to i32
      %cond3A_86 = arith.constant 0 : i32
      %cond3A_87 = arith.cmpi ne, %convert_element_type3A_85, %cond3A_86 : i32
      scf.if %cond3A_87 {
        %add3A_142 = arith.constant 10000 : i32
        %add3A_143 = vector.broadcast %add3A_142 : i32 to vector<16xi32>
        %add3A_144 = arith.addi %add3A_143, %iota3A : vector<16xi32>
        %add3A_145 = arith.constant 32 : i32
        %add3A_146 = vector.broadcast %add3A_145 : i32 to vector<16xi32>
        %add3A_147 = arith.addi %add3A_144, %add3A_146 : vector<16xi32>
        %add3A_148 = arith.constant 32 : i32
        %add3A_149 = arith.addi %scan3A_50, %add3A_148 : i32
        %swap3A = arith.index_cast %add3A_149 : i32 to index
        %swap3A_150 = tpu.vector_load %arg6[%swap3A] {strides = array<i32>} : memref<10128xi32, #tpu.memory_space<vmem>>, vector<16xi32>,
        tpu.vector_store %arg6[%swap3A], %add3A_147 {strides = array<i32>} : memref<10128xi32, #tpu.memory_space<vmem>>, vector<16xi32>,
        %add3A_151 = arith.constant 5120 : i32
        %add3A_152 = vector.broadcast %add3A_151 : i32 to vector<16xi32>
        %add3A_153 = arith.addi %add3A_152, %iota3A : vector<16xi32>
        %add3A_154 = arith.constant 32 : i32
        %add3A_155 = vector.broadcast %add3A_154 : i32 to vector<16xi32>
        %add3A_156 = arith.addi %add3A_153, %add3A_155 : vector<16xi32>
        %add3A_157 = arith.constant 32 : i32
        %add3A_158 = arith.addi %scan3A_50, %add3A_157 : i32
        %swap3A_159 = arith.index_cast %add3A_158 : i32 to index
        %swap3A_160 = tpu.vector_load %arg7[%swap3A_159] {strides = array<i32>} : memref<10128xi32, #tpu.memory_space<vmem>>, vector<16xi32>,
        tpu.vector_store %arg7[%swap3A_159], %add3A_156 {strides = array<i32>} : memref<10128xi32, #tpu.memory_space<vmem>>, vector<16xi32>,
      } else {
      }
      %gt3A_88 = arith.constant 48 : i32
      %gt3A_89 = arith.cmpi sgt, %sub3A_75, %gt3A_88 : i32
      %convert_element_type3A_90 = arith.extui %gt3A_89 : i1 to i32
      %cond3A_91 = arith.constant 0 : i32
      %cond3A_92 = arith.cmpi ne, %convert_element_type3A_90, %cond3A_91 : i32
      scf.if %cond3A_92 {
        %add3A_142 = arith.constant 10000 : i32
        %add3A_143 = vector.broadcast %add3A_142 : i32 to vector<16xi32>
        %add3A_144 = arith.addi %add3A_143, %iota3A : vector<16xi32>
        %add3A_145 = arith.constant 48 : i32
        %add3A_146 = vector.broadcast %add3A_145 : i32 to vector<16xi32>
        %add3A_147 = arith.addi %add3A_144, %add3A_146 : vector<16xi32>
        %add3A_148 = arith.constant 48 : i32
        %add3A_149 = arith.addi %scan3A_50, %add3A_148 : i32
        %swap3A = arith.index_cast %add3A_149 : i32 to index
        %swap3A_150 = tpu.vector_load %arg6[%swap3A] {strides = array<i32>} : memref<10128xi32, #tpu.memory_space<vmem>>, vector<16xi32>,
        tpu.vector_store %arg6[%swap3A], %add3A_147 {strides = array<i32>} : memref<10128xi32, #tpu.memory_space<vmem>>, vector<16xi32>,
        %add3A_151 = arith.constant 5120 : i32
        %add3A_152 = vector.broadcast %add3A_151 : i32 to vector<16xi32>
        %add3A_153 = arith.addi %add3A_152, %iota3A : vector<16xi32>
        %add3A_154 = arith.constant 48 : i32
        %add3A_155 = vector.broadcast %add3A_154 : i32 to vector<16xi32>
        %add3A_156 = arith.addi %add3A_153, %add3A_155 : vector<16xi32>
        %add3A_157 = arith.constant 48 : i32
        %add3A_158 = arith.addi %scan3A_50, %add3A_157 : i32
        %swap3A_159 = arith.index_cast %add3A_158 : i32 to index
        %swap3A_160 = tpu.vector_load %arg7[%swap3A_159] {strides = array<i32>} : memref<10128xi32, #tpu.memory_space<vmem>>, vector<16xi32>,
        tpu.vector_store %arg7[%swap3A_159], %add3A_156 {strides = array<i32>} : memref<10128xi32, #tpu.memory_space<vmem>>, vector<16xi32>,
      } else {
      }
      %gt3A_93 = arith.constant 64 : i32
      %gt3A_94 = arith.cmpi sgt, %sub3A_75, %gt3A_93 : i32
      %convert_element_type3A_95 = arith.extui %gt3A_94 : i1 to i32
      %cond3A_96 = arith.constant 0 : i32
      %cond3A_97 = arith.cmpi ne, %convert_element_type3A_95, %cond3A_96 : i32
      scf.if %cond3A_97 {
        %add3A_142 = arith.constant 10000 : i32
        %add3A_143 = vector.broadcast %add3A_142 : i32 to vector<16xi32>
        %add3A_144 = arith.addi %add3A_143, %iota3A : vector<16xi32>
        %add3A_145 = arith.constant 64 : i32
        %add3A_146 = vector.broadcast %add3A_145 : i32 to vector<16xi32>
        %add3A_147 = arith.addi %add3A_144, %add3A_146 : vector<16xi32>
        %add3A_148 = arith.constant 64 : i32
        %add3A_149 = arith.addi %scan3A_50, %add3A_148 : i32
        %swap3A = arith.index_cast %add3A_149 : i32 to index
        %swap3A_150 = tpu.vector_load %arg6[%swap3A] {strides = array<i32>} : memref<10128xi32, #tpu.memory_space<vmem>>, vector<16xi32>,
        tpu.vector_store %arg6[%swap3A], %add3A_147 {strides = array<i32>} : memref<10128xi32, #tpu.memory_space<vmem>>, vector<16xi32>,
        %add3A_151 = arith.constant 5120 : i32
        %add3A_152 = vector.broadcast %add3A_151 : i32 to vector<16xi32>
        %add3A_153 = arith.addi %add3A_152, %iota3A : vector<16xi32>
        %add3A_154 = arith.constant 64 : i32
        %add3A_155 = vector.broadcast %add3A_154 : i32 to vector<16xi32>
        %add3A_156 = arith.addi %add3A_153, %add3A_155 : vector<16xi32>
        %add3A_157 = arith.constant 64 : i32
        %add3A_158 = arith.addi %scan3A_50, %add3A_157 : i32
        %swap3A_159 = arith.index_cast %add3A_158 : i32 to index
        %swap3A_160 = tpu.vector_load %arg7[%swap3A_159] {strides = array<i32>} : memref<10128xi32, #tpu.memory_space<vmem>>, vector<16xi32>,
        tpu.vector_store %arg7[%swap3A_159], %add3A_156 {strides = array<i32>} : memref<10128xi32, #tpu.memory_space<vmem>>, vector<16xi32>,
      } else {
      }
      %gt3A_98 = arith.constant 80 : i32
      %gt3A_99 = arith.cmpi sgt, %sub3A_75, %gt3A_98 : i32
      %convert_element_type3A_100 = arith.extui %gt3A_99 : i1 to i32
      %cond3A_101 = arith.constant 0 : i32
      %cond3A_102 = arith.cmpi ne, %convert_element_type3A_100, %cond3A_101 : i32
      scf.if %cond3A_102 {
        %add3A_142 = arith.constant 10000 : i32
        %add3A_143 = vector.broadcast %add3A_142 : i32 to vector<16xi32>
        %add3A_144 = arith.addi %add3A_143, %iota3A : vector<16xi32>
        %add3A_145 = arith.constant 80 : i32
        %add3A_146 = vector.broadcast %add3A_145 : i32 to vector<16xi32>
        %add3A_147 = arith.addi %add3A_144, %add3A_146 : vector<16xi32>
        %add3A_148 = arith.constant 80 : i32
        %add3A_149 = arith.addi %scan3A_50, %add3A_148 : i32
        %swap3A = arith.index_cast %add3A_149 : i32 to index
        %swap3A_150 = tpu.vector_load %arg6[%swap3A] {strides = array<i32>} : memref<10128xi32, #tpu.memory_space<vmem>>, vector<16xi32>,
        tpu.vector_store %arg6[%swap3A], %add3A_147 {strides = array<i32>} : memref<10128xi32, #tpu.memory_space<vmem>>, vector<16xi32>,
        %add3A_151 = arith.constant 5120 : i32
        %add3A_152 = vector.broadcast %add3A_151 : i32 to vector<16xi32>
        %add3A_153 = arith.addi %add3A_152, %iota3A : vector<16xi32>
        %add3A_154 = arith.constant 80 : i32
        %add3A_155 = vector.broadcast %add3A_154 : i32 to vector<16xi32>
        %add3A_156 = arith.addi %add3A_153, %add3A_155 : vector<16xi32>
        %add3A_157 = arith.constant 80 : i32
        %add3A_158 = arith.addi %scan3A_50, %add3A_157 : i32
        %swap3A_159 = arith.index_cast %add3A_158 : i32 to index
        %swap3A_160 = tpu.vector_load %arg7[%swap3A_159] {strides = array<i32>} : memref<10128xi32, #tpu.memory_space<vmem>>, vector<16xi32>,
        tpu.vector_store %arg7[%swap3A_159], %add3A_156 {strides = array<i32>} : memref<10128xi32, #tpu.memory_space<vmem>>, vector<16xi32>,
      } else {
      }
      %gt3A_103 = arith.constant 96 : i32
      %gt3A_104 = arith.cmpi sgt, %sub3A_75, %gt3A_103 : i32
      %convert_element_type3A_105 = arith.extui %gt3A_104 : i1 to i32
      %cond3A_106 = arith.constant 0 : i32
      %cond3A_107 = arith.cmpi ne, %convert_element_type3A_105, %cond3A_106 : i32
      scf.if %cond3A_107 {
        %add3A_142 = arith.constant 10000 : i32
        %add3A_143 = vector.broadcast %add3A_142 : i32 to vector<16xi32>
        %add3A_144 = arith.addi %add3A_143, %iota3A : vector<16xi32>
        %add3A_145 = arith.constant 96 : i32
        %add3A_146 = vector.broadcast %add3A_145 : i32 to vector<16xi32>
        %add3A_147 = arith.addi %add3A_144, %add3A_146 : vector<16xi32>
        %add3A_148 = arith.constant 96 : i32
        %add3A_149 = arith.addi %scan3A_50, %add3A_148 : i32
        %swap3A = arith.index_cast %add3A_149 : i32 to index
        %swap3A_150 = tpu.vector_load %arg6[%swap3A] {strides = array<i32>} : memref<10128xi32, #tpu.memory_space<vmem>>, vector<16xi32>,
        tpu.vector_store %arg6[%swap3A], %add3A_147 {strides = array<i32>} : memref<10128xi32, #tpu.memory_space<vmem>>, vector<16xi32>,
        %add3A_151 = arith.constant 5120 : i32
        %add3A_152 = vector.broadcast %add3A_151 : i32 to vector<16xi32>
        %add3A_153 = arith.addi %add3A_152, %iota3A : vector<16xi32>
        %add3A_154 = arith.constant 96 : i32
        %add3A_155 = vector.broadcast %add3A_154 : i32 to vector<16xi32>
        %add3A_156 = arith.addi %add3A_153, %add3A_155 : vector<16xi32>
        %add3A_157 = arith.constant 96 : i32
        %add3A_158 = arith.addi %scan3A_50, %add3A_157 : i32
        %swap3A_159 = arith.index_cast %add3A_158 : i32 to index
        %swap3A_160 = tpu.vector_load %arg7[%swap3A_159] {strides = array<i32>} : memref<10128xi32, #tpu.memory_space<vmem>>, vector<16xi32>,
        tpu.vector_store %arg7[%swap3A_159], %add3A_156 {strides = array<i32>} : memref<10128xi32, #tpu.memory_space<vmem>>, vector<16xi32>,
      } else {
      }
      %gt3A_108 = arith.constant 112 : i32
      %gt3A_109 = arith.cmpi sgt, %sub3A_75, %gt3A_108 : i32
      %convert_element_type3A_110 = arith.extui %gt3A_109 : i1 to i32
      %cond3A_111 = arith.constant 0 : i32
      %cond3A_112 = arith.cmpi ne, %convert_element_type3A_110, %cond3A_111 : i32
      scf.if %cond3A_112 {
        %add3A_142 = arith.constant 10000 : i32
        %add3A_143 = vector.broadcast %add3A_142 : i32 to vector<16xi32>
        %add3A_144 = arith.addi %add3A_143, %iota3A : vector<16xi32>
        %add3A_145 = arith.constant 112 : i32
        %add3A_146 = vector.broadcast %add3A_145 : i32 to vector<16xi32>
        %add3A_147 = arith.addi %add3A_144, %add3A_146 : vector<16xi32>
        %add3A_148 = arith.constant 112 : i32
        %add3A_149 = arith.addi %scan3A_50, %add3A_148 : i32
        %swap3A = arith.index_cast %add3A_149 : i32 to index
        %swap3A_150 = tpu.vector_load %arg6[%swap3A] {strides = array<i32>} : memref<10128xi32, #tpu.memory_space<vmem>>, vector<16xi32>,
        tpu.vector_store %arg6[%swap3A], %add3A_147 {strides = array<i32>} : memref<10128xi32, #tpu.memory_space<vmem>>, vector<16xi32>,
        %add3A_151 = arith.constant 5120 : i32
        %add3A_152 = vector.broadcast %add3A_151 : i32 to vector<16xi32>
        %add3A_153 = arith.addi %add3A_152, %iota3A : vector<16xi32>
        %add3A_154 = arith.constant 112 : i32
        %add3A_155 = vector.broadcast %add3A_154 : i32 to vector<16xi32>
        %add3A_156 = arith.addi %add3A_153, %add3A_155 : vector<16xi32>
        %add3A_157 = arith.constant 112 : i32
        %add3A_158 = arith.addi %scan3A_50, %add3A_157 : i32
        %swap3A_159 = arith.index_cast %add3A_158 : i32 to index
        %swap3A_160 = tpu.vector_load %arg7[%swap3A_159] {strides = array<i32>} : memref<10128xi32, #tpu.memory_space<vmem>>, vector<16xi32>,
        tpu.vector_store %arg7[%swap3A_159], %add3A_156 {strides = array<i32>} : memref<10128xi32, #tpu.memory_space<vmem>>, vector<16xi32>,
      } else {
      }
      %while3A = arith.constant 0 : i32
      %while3A_113 = arith.constant 0 : i32
      %while3A_114 = arith.subi %select_n3A, %while3A : i32
      %while3A_115 = arith.addi %while3A, %while3A_114 : i32
      %while3A_116 = arith.constant 1 : i32
      %while3A_117 = arith.divsi %while3A_114, %while3A_116 : i32
      %while3A_118 = arith.muli %while3A_117, %while3A_116 : i32
      %while3A_119 = arith.addi %while3A, %while3A_118 : i32
      %while3A_120 = arith.constant 1 : i32
      %while3A_121 = scf.for %while3A_142 = %while3A to %while3A_119 step %while3A_120 iter_args(%while3A_143 = %while3A_113) -> (i32)  : i32 {
        %scan3A_144 = arith.constant 0 : i32
        %scan3A_145 = arith.constant 0 : i32
        %scan3A_146 = arith.constant 8 : i32
        %scan3A_147 = arith.addi %scan3A_145, %scan3A_146 : i32
        %scan3A_148 = arith.constant 1 : i32
        %scan3A_149 = scf.for %scan3A_152 = %scan3A_145 to %scan3A_147 step %scan3A_148 iter_args(%scan3A_153 = %scan3A_144) -> (i32)  : i32 {
          %mul3A_154 = arith.constant 128 : i32
          %mul3A_155 = arith.muli %while3A_142, %mul3A_154 : i32
          %mul3A_156 = arith.constant 16 : i32
          %mul3A_157 = arith.muli %scan3A_152, %mul3A_156 : i32
          %add3A_158 = arith.addi %mul3A_155, %mul3A_157 : i32
          %get3A = arith.index_cast %add3A_158 : i32 to index
          %get3A_159 = tpu.vector_load %arg7[%get3A] {strides = array<i32>} : memref<10128xi32, #tpu.memory_space<vmem>>, vector<16xi32>,
          %mul3A_160 = arith.constant 16 : i32
          %mul3A_161 = arith.muli %scan3A_152, %mul3A_160 : i32
          %swap3A = arith.index_cast %while3A_142 : i32 to index
          %swap3A_162 = arith.index_cast %mul3A_161 : i32 to index
          %swap3A_163 = tpu.vector_load %arg8[%swap3A, %swap3A_162] {strides = array<i32>} : memref<79x128xi32, #tpu.memory_space<vmem>>, vector<16xi32>,
          tpu.vector_store %arg8[%swap3A, %swap3A_162], %get3A_159 {strides = array<i32>} : memref<79x128xi32, #tpu.memory_space<vmem>>, vector<16xi32>,
          %scan3A_164 = arith.constant 0 : i32
          scf.yield %scan3A_164 : i32
        }
        %scan3A_150 = arith.constant 8 : i32
        %while3A_151 = arith.constant 0 : i32
        scf.yield %while3A_151 : i32
      }
      %while3A_122 = arith.constant 1 : i32
      %while3A_123 = scf.for %while3A_142 = %while3A_119 to %while3A_115 step %while3A_122 iter_args(%while3A_143 = %while3A_121) -> (i32)  : i32 {
        %scan3A_144 = arith.constant 0 : i32
        %scan3A_145 = arith.constant 0 : i32
        %scan3A_146 = arith.constant 8 : i32
        %scan3A_147 = arith.addi %scan3A_145, %scan3A_146 : i32
        %scan3A_148 = arith.constant 1 : i32
        %scan3A_149 = scf.for %scan3A_152 = %scan3A_145 to %scan3A_147 step %scan3A_148 iter_args(%scan3A_153 = %scan3A_144) -> (i32)  : i32 {
          %mul3A_154 = arith.constant 128 : i32
          %mul3A_155 = arith.muli %while3A_142, %mul3A_154 : i32
          %mul3A_156 = arith.constant 16 : i32
          %mul3A_157 = arith.muli %scan3A_152, %mul3A_156 : i32
          %add3A_158 = arith.addi %mul3A_155, %mul3A_157 : i32
          %get3A = arith.index_cast %add3A_158 : i32 to index
          %get3A_159 = tpu.vector_load %arg7[%get3A] {strides = array<i32>} : memref<10128xi32, #tpu.memory_space<vmem>>, vector<16xi32>,
          %mul3A_160 = arith.constant 16 : i32
          %mul3A_161 = arith.muli %scan3A_152, %mul3A_160 : i32
          %swap3A = arith.index_cast %while3A_142 : i32 to index
          %swap3A_162 = arith.index_cast %mul3A_161 : i32 to index
          %swap3A_163 = tpu.vector_load %arg8[%swap3A, %swap3A_162] {strides = array<i32>} : memref<79x128xi32, #tpu.memory_space<vmem>>, vector<16xi32>,
          tpu.vector_store %arg8[%swap3A, %swap3A_162], %get3A_159 {strides = array<i32>} : memref<79x128xi32, #tpu.memory_space<vmem>>, vector<16xi32>,
          %scan3A_164 = arith.constant 0 : i32
          scf.yield %scan3A_164 : i32
        }
        %scan3A_150 = arith.constant 8 : i32
        %while3A_151 = arith.constant 0 : i32
        scf.yield %while3A_151 : i32
      }
      %gt3A_124 = arith.constant 0 : i32
      %gt3A_125 = arith.cmpi sgt, %select_n3A, %gt3A_124 : i32
      %convert_element_type3A_126 = arith.extui %gt3A_125 : i1 to i32
      %cond3A_127 = arith.constant 0 : i32
      %cond3A_128 = arith.cmpi ne, %convert_element_type3A_126, %cond3A_127 : i32
      scf.if %cond3A_128 {
        %dma_start3A = arith.constant 0 : i32
        %dma_start3A_142 = arith.constant 0 : i32
        %dma_start3A_143 = arith.constant 0 : i32
        %dma_start3A_144 = arith.constant 0 : i32
        %dma_start3A_145 = tpu.memref_slice %arg9[%dma_start3A, %dma_start3A_143, %dma_start3A_144] : memref<3x128x128xf32, #tpu.memory_space<vmem>> -> memref<1x128x128xf32, #tpu.memory_space<vmem>>
        %dma_start3A_146 = tpu.memref_squeeze %dma_start3A_145 : memref<1x128x128xf32, #tpu.memory_space<vmem>> -> memref<128x128xf32, #tpu.memory_space<vmem>>
        %dma_start3A_147 = arith.constant 0 : i32
        %dma_start3A_148 = tpu.memref_slice %arg6[%dma_start3A_147] : memref<10128xi32, #tpu.memory_space<vmem>> -> memref<128xi32, #tpu.memory_space<vmem>>
        %dma_start3A_149 = arith.constant 0 : i32
        %dma_start3A_150 = arith.constant 0 : i32
        %dma_start3A_151 = tpu.memref_slice %arg2[%dma_start3A_149, %dma_start3A_150] : memref<10240x128xf32, #tpu.memory_space<hbm>> -> memref<10240x128xf32, #tpu.memory_space<hbm>>
        %dma_start3A_152 = tpu.memref_slice %arg12[%dma_start3A_142] : memref<3x!tpu.dma_semaphore, #tpu.memory_space<semaphore_mem>> -> memref<1x!tpu.dma_semaphore, #tpu.memory_space<semaphore_mem>>
        %dma_start3A_153 = tpu.memref_squeeze %dma_start3A_152 : memref<1x!tpu.dma_semaphore, #tpu.memory_space<semaphore_mem>> -> memref<!tpu.dma_semaphore, #tpu.memory_space<semaphore_mem>>
        tpu.enqueue_indirect_dma source(%dma_start3A_151 : memref<10240x128xf32, #tpu.memory_space<hbm>>) target(%dma_start3A_146 : memref<128x128xf32, #tpu.memory_space<vmem>>) offsets(%dma_start3A_148 : memref<128xi32, #tpu.memory_space<vmem>>) semaphore(%dma_start3A_153 : memref<!tpu.dma_semaphore, #tpu.memory_space<semaphore_mem>>)
      } else {
      }
      %while3A_129 = arith.constant 0 : i32
      %while3A_130 = arith.constant 0 : i32
      %while3A_131 = arith.subi %select_n3A, %while3A_129 : i32
      %while3A_132 = arith.addi %while3A_129, %while3A_131 : i32
      %while3A_133 = arith.constant 1 : i32
      %while3A_134 = arith.divsi %while3A_131, %while3A_133 : i32
      %while3A_135 = arith.muli %while3A_134, %while3A_133 : i32
      %while3A_136 = arith.addi %while3A_129, %while3A_135 : i32
      %while3A_137 = arith.constant 1 : i32
      %while3A_138 = scf.for %while3A_142 = %while3A_129 to %while3A_136 step %while3A_137 iter_args(%while3A_143 = %while3A_130) -> (i32)  : i32 {
        %rem3A_144 = arith.constant 3 : i32
        %rem3A_145 = arith.remsi %while3A_142, %rem3A_144 : i32
        %add3A_146 = arith.constant 1 : i32
        %add3A_147 = arith.addi %while3A_142, %add3A_146 : i32
        %rem3A_148 = arith.constant 3 : i32
        %rem3A_149 = arith.remsi %add3A_147, %rem3A_148 : i32
        %add3A_150 = arith.constant 1 : i32
        %add3A_151 = arith.addi %while3A_142, %add3A_150 : i32
        %lt3A = arith.cmpi slt, %add3A_151, %select_n3A : i32
        %convert_element_type3A_152 = arith.extui %lt3A : i1 to i32
        %cond3A_153 = arith.constant 0 : i32
        %cond3A_154 = arith.cmpi ne, %convert_element_type3A_152, %cond3A_153 : i32
        scf.if %cond3A_154 {
          %add3A_174 = arith.constant 1 : i32
          %add3A_175 = arith.addi %while3A_142, %add3A_174 : i32
          %mul3A_176 = arith.constant 128 : i32
          %mul3A_177 = arith.muli %add3A_175, %mul3A_176 : i32
          %dma_start3A = arith.constant 0 : i32
          %dma_start3A_178 = arith.constant 0 : i32
          %dma_start3A_179 = tpu.memref_slice %arg9[%rem3A_149, %dma_start3A, %dma_start3A_178] : memref<3x128x128xf32, #tpu.memory_space<vmem>> -> memref<1x128x128xf32, #tpu.memory_space<vmem>>
          %dma_start3A_180 = tpu.memref_squeeze %dma_start3A_179 : memref<1x128x128xf32, #tpu.memory_space<vmem>> -> memref<128x128xf32, #tpu.memory_space<vmem>>
          %dma_start3A_181 = tpu.memref_slice %arg6[%mul3A_177] : memref<10128xi32, #tpu.memory_space<vmem>> -> memref<128xi32, #tpu.memory_space<vmem>>
          %dma_start3A_182 = arith.constant 0 : i32
          %dma_start3A_183 = arith.constant 0 : i32
          %dma_start3A_184 = tpu.memref_slice %arg2[%dma_start3A_182, %dma_start3A_183] : memref<10240x128xf32, #tpu.memory_space<hbm>> -> memref<10240x128xf32, #tpu.memory_space<hbm>>
          %dma_start3A_185 = tpu.memref_slice %arg12[%rem3A_149] : memref<3x!tpu.dma_semaphore, #tpu.memory_space<semaphore_mem>> -> memref<1x!tpu.dma_semaphore, #tpu.memory_space<semaphore_mem>>
          %dma_start3A_186 = tpu.memref_squeeze %dma_start3A_185 : memref<1x!tpu.dma_semaphore, #tpu.memory_space<semaphore_mem>> -> memref<!tpu.dma_semaphore, #tpu.memory_space<semaphore_mem>>
          tpu.enqueue_indirect_dma source(%dma_start3A_184 : memref<10240x128xf32, #tpu.memory_space<hbm>>) target(%dma_start3A_180 : memref<128x128xf32, #tpu.memory_space<vmem>>) offsets(%dma_start3A_181 : memref<128xi32, #tpu.memory_space<vmem>>) semaphore(%dma_start3A_186 : memref<!tpu.dma_semaphore, #tpu.memory_space<semaphore_mem>>)
        } else {
        }
        %scan3A_155 = arith.constant 0 : i32
        %scan3A_156 = arith.constant 0 : i32
        %scan3A_157 = arith.constant 8 : i32
        %scan3A_158 = arith.addi %scan3A_156, %scan3A_157 : i32
        %scan3A_159 = arith.constant 1 : i32
        %scan3A_160 = scf.for %scan3A_174 = %scan3A_156 to %scan3A_158 step %scan3A_159 iter_args(%scan3A_175 = %scan3A_155) -> (i32)  : i32 {
          %mul3A_176 = arith.constant 16 : i32
          %mul3A_177 = arith.muli %scan3A_174, %mul3A_176 : i32
          %get3A = arith.index_cast %while3A_142 : i32 to index
          %get3A_178 = arith.index_cast %mul3A_177 : i32 to index
          %get3A_179 = tpu.vector_load %arg8[%get3A, %get3A_178] {strides = array<i32>} : memref<79x128xi32, #tpu.memory_space<vmem>>, vector<16xi32>,
          %lt3A_180 = arith.constant 5120 : i32
          %lt3A_181 = vector.broadcast %lt3A_180 : i32 to vector<16xi32>
          %lt3A_182 = arith.cmpi slt, %get3A_179, %lt3A_181 : vector<16xi32>
          tpu.vector_store_idx %arg10[%get3A_179], %broadcast_in_dim3A_2 masked %lt3A_182 {add = true} : memref<5120xf32, #tpu.memory_space<vmem>>[vector<16xi32>], vector<16xf32>, vector<16xi1>
          %scan3A_183 = arith.constant 0 : i32
          scf.yield %scan3A_183 : i32
        }
        %scan3A_161 = arith.constant 8 : i32
        %mul3A_162 = arith.constant 128 : i32
        %mul3A_163 = arith.muli %while3A_142, %mul3A_162 : i32
        %dma_wait3A = arith.constant 0 : i32
        %dma_wait3A_164 = arith.constant 0 : i32
        %dma_wait3A_165 = tpu.memref_slice %arg9[%rem3A_145, %dma_wait3A, %dma_wait3A_164] : memref<3x128x128xf32, #tpu.memory_space<vmem>> -> memref<1x128x128xf32, #tpu.memory_space<vmem>>
        %dma_wait3A_166 = tpu.memref_squeeze %dma_wait3A_165 : memref<1x128x128xf32, #tpu.memory_space<vmem>> -> memref<128x128xf32, #tpu.memory_space<vmem>>
        %dma_wait3A_167 = tpu.memref_slice %arg6[%mul3A_163] : memref<10128xi32, #tpu.memory_space<vmem>> -> memref<128xi32, #tpu.memory_space<vmem>>
        %dma_wait3A_168 = arith.constant 0 : i32
        %dma_wait3A_169 = arith.constant 0 : i32
        %dma_wait3A_170 = tpu.memref_slice %arg2[%dma_wait3A_168, %dma_wait3A_169] : memref<10240x128xf32, #tpu.memory_space<hbm>> -> memref<10240x128xf32, #tpu.memory_space<hbm>>
        %dma_wait3A_171 = tpu.memref_slice %arg12[%rem3A_145] : memref<3x!tpu.dma_semaphore, #tpu.memory_space<semaphore_mem>> -> memref<1x!tpu.dma_semaphore, #tpu.memory_space<semaphore_mem>>
        %dma_wait3A_172 = tpu.memref_squeeze %dma_wait3A_171 : memref<1x!tpu.dma_semaphore, #tpu.memory_space<semaphore_mem>> -> memref<!tpu.dma_semaphore, #tpu.memory_space<semaphore_mem>>
        tpu.wait_indirect_dma semaphore(%dma_wait3A_172 : memref<!tpu.dma_semaphore, #tpu.memory_space<semaphore_mem>>) src(%dma_wait3A_170 : memref<10240x128xf32, #tpu.memory_space<hbm>>) dst(%dma_wait3A_166 : memref<128x128xf32, #tpu.memory_space<vmem>>)
        "tpu.region"() ({
          %run_scoped3A_174 = tpu.sem_alloc : memref<!tpu.dma_semaphore, #tpu.memory_space<semaphore_mem>>
          %dma_start3A = arith.constant 0 : i32
          %dma_start3A_175 = arith.constant 0 : i32
          %dma_start3A_176 = tpu.memref_slice %arg9[%rem3A_145, %dma_start3A, %dma_start3A_175] : memref<3x128x128xf32, #tpu.memory_space<vmem>> -> memref<1x128x128xf32, #tpu.memory_space<vmem>>
          %dma_start3A_177 = tpu.memref_squeeze %dma_start3A_176 : memref<1x128x128xf32, #tpu.memory_space<vmem>> -> memref<128x128xf32, #tpu.memory_space<vmem>>
          %dma_start3A_178 = arith.constant 0 : i32
          %dma_start3A_179 = tpu.memref_slice %arg8[%while3A_142, %dma_start3A_178] : memref<79x128xi32, #tpu.memory_space<vmem>> -> memref<1x128xi32, #tpu.memory_space<vmem>>
          %dma_start3A_180 = tpu.memref_squeeze %dma_start3A_179 : memref<1x128xi32, #tpu.memory_space<vmem>> -> memref<128xi32, #tpu.memory_space<vmem>>
          %dma_start3A_181 = arith.constant 0 : i32
          %dma_start3A_182 = arith.constant 0 : i32
          %dma_start3A_183 = tpu.memref_slice %arg11[%dma_start3A_181, %dma_start3A_182] : memref<5248x128xf32, #tpu.memory_space<vmem_shared>> -> memref<5248x128xf32, #tpu.memory_space<vmem_shared>>
          tpu.enqueue_indirect_dma source(%dma_start3A_177 : memref<128x128xf32, #tpu.memory_space<vmem>>) target(%dma_start3A_183 : memref<5248x128xf32, #tpu.memory_space<vmem_shared>>) offsets(%dma_start3A_180 : memref<128xi32, #tpu.memory_space<vmem>>) semaphore(%run_scoped3A_174 : memref<!tpu.dma_semaphore, #tpu.memory_space<semaphore_mem>>) {add = true}
          %dma_wait3A_184 = arith.constant 0 : i32
          %dma_wait3A_185 = arith.constant 0 : i32
          %dma_wait3A_186 = tpu.memref_slice %arg9[%rem3A_145, %dma_wait3A_184, %dma_wait3A_185] : memref<3x128x128xf32, #tpu.memory_space<vmem>> -> memref<1x128x128xf32, #tpu.memory_space<vmem>>
          %dma_wait3A_187 = tpu.memref_squeeze %dma_wait3A_186 : memref<1x128x128xf32, #tpu.memory_space<vmem>> -> memref<128x128xf32, #tpu.memory_space<vmem>>
          %dma_wait3A_188 = arith.constant 0 : i32
          %dma_wait3A_189 = tpu.memref_slice %arg8[%while3A_142, %dma_wait3A_188] : memref<79x128xi32, #tpu.memory_space<vmem>> -> memref<1x128xi32, #tpu.memory_space<vmem>>
          %dma_wait3A_190 = tpu.memref_squeeze %dma_wait3A_189 : memref<1x128xi32, #tpu.memory_space<vmem>> -> memref<128xi32, #tpu.memory_space<vmem>>
          %dma_wait3A_191 = arith.constant 0 : i32
          %dma_wait3A_192 = arith.constant 0 : i32
          %dma_wait3A_193 = tpu.memref_slice %arg11[%dma_wait3A_191, %dma_wait3A_192] : memref<5248x128xf32, #tpu.memory_space<vmem_shared>> -> memref<5248x128xf32, #tpu.memory_space<vmem_shared>>
          tpu.wait_indirect_dma semaphore(%run_scoped3A_174 : memref<!tpu.dma_semaphore, #tpu.memory_space<semaphore_mem>>) src(%dma_wait3A_187 : memref<128x128xf32, #tpu.memory_space<vmem>>) dst(%dma_wait3A_193 : memref<5248x128xf32, #tpu.memory_space<vmem_shared>>)
          tpu.yield
        }) : () -> ()
        %while3A_173 = arith.constant 0 : i32
        scf.yield %while3A_173 : i32
      }
      %while3A_139 = arith.constant 1 : i32
      %while3A_140 = scf.for %while3A_142 = %while3A_136 to %while3A_132 step %while3A_139 iter_args(%while3A_143 = %while3A_138) -> (i32)  : i32 {
        %rem3A_144 = arith.constant 3 : i32
        %rem3A_145 = arith.remsi %while3A_142, %rem3A_144 : i32
        %add3A_146 = arith.constant 1 : i32
        %add3A_147 = arith.addi %while3A_142, %add3A_146 : i32
        %rem3A_148 = arith.constant 3 : i32
        %rem3A_149 = arith.remsi %add3A_147, %rem3A_148 : i32
        %add3A_150 = arith.constant 1 : i32
        %add3A_151 = arith.addi %while3A_142, %add3A_150 : i32
        %lt3A = arith.cmpi slt, %add3A_151, %select_n3A : i32
        %convert_element_type3A_152 = arith.extui %lt3A : i1 to i32
        %cond3A_153 = arith.constant 0 : i32
        %cond3A_154 = arith.cmpi ne, %convert_element_type3A_152, %cond3A_153 : i32
        scf.if %cond3A_154 {
          %add3A_174 = arith.constant 1 : i32
          %add3A_175 = arith.addi %while3A_142, %add3A_174 : i32
          %mul3A_176 = arith.constant 128 : i32
          %mul3A_177 = arith.muli %add3A_175, %mul3A_176 : i32
          %dma_start3A = arith.constant 0 : i32
          %dma_start3A_178 = arith.constant 0 : i32
          %dma_start3A_179 = tpu.memref_slice %arg9[%rem3A_149, %dma_start3A, %dma_start3A_178] : memref<3x128x128xf32, #tpu.memory_space<vmem>> -> memref<1x128x128xf32, #tpu.memory_space<vmem>>
          %dma_start3A_180 = tpu.memref_squeeze %dma_start3A_179 : memref<1x128x128xf32, #tpu.memory_space<vmem>> -> memref<128x128xf32, #tpu.memory_space<vmem>>
          %dma_start3A_181 = tpu.memref_slice %arg6[%mul3A_177] : memref<10128xi32, #tpu.memory_space<vmem>> -> memref<128xi32, #tpu.memory_space<vmem>>
          %dma_start3A_182 = arith.constant 0 : i32
          %dma_start3A_183 = arith.constant 0 : i32
          %dma_start3A_184 = tpu.memref_slice %arg2[%dma_start3A_182, %dma_start3A_183] : memref<10240x128xf32, #tpu.memory_space<hbm>> -> memref<10240x128xf32, #tpu.memory_space<hbm>>
          %dma_start3A_185 = tpu.memref_slice %arg12[%rem3A_149] : memref<3x!tpu.dma_semaphore, #tpu.memory_space<semaphore_mem>> -> memref<1x!tpu.dma_semaphore, #tpu.memory_space<semaphore_mem>>
          %dma_start3A_186 = tpu.memref_squeeze %dma_start3A_185 : memref<1x!tpu.dma_semaphore, #tpu.memory_space<semaphore_mem>> -> memref<!tpu.dma_semaphore, #tpu.memory_space<semaphore_mem>>
          tpu.enqueue_indirect_dma source(%dma_start3A_184 : memref<10240x128xf32, #tpu.memory_space<hbm>>) target(%dma_start3A_180 : memref<128x128xf32, #tpu.memory_space<vmem>>) offsets(%dma_start3A_181 : memref<128xi32, #tpu.memory_space<vmem>>) semaphore(%dma_start3A_186 : memref<!tpu.dma_semaphore, #tpu.memory_space<semaphore_mem>>)
        } else {
        }
        %scan3A_155 = arith.constant 0 : i32
        %scan3A_156 = arith.constant 0 : i32
        %scan3A_157 = arith.constant 8 : i32
        %scan3A_158 = arith.addi %scan3A_156, %scan3A_157 : i32
        %scan3A_159 = arith.constant 1 : i32
        %scan3A_160 = scf.for %scan3A_174 = %scan3A_156 to %scan3A_158 step %scan3A_159 iter_args(%scan3A_175 = %scan3A_155) -> (i32)  : i32 {
          %mul3A_176 = arith.constant 16 : i32
          %mul3A_177 = arith.muli %scan3A_174, %mul3A_176 : i32
          %get3A = arith.index_cast %while3A_142 : i32 to index
          %get3A_178 = arith.index_cast %mul3A_177 : i32 to index
          %get3A_179 = tpu.vector_load %arg8[%get3A, %get3A_178] {strides = array<i32>} : memref<79x128xi32, #tpu.memory_space<vmem>>, vector<16xi32>,
          %lt3A_180 = arith.constant 5120 : i32
          %lt3A_181 = vector.broadcast %lt3A_180 : i32 to vector<16xi32>
          %lt3A_182 = arith.cmpi slt, %get3A_179, %lt3A_181 : vector<16xi32>
          tpu.vector_store_idx %arg10[%get3A_179], %broadcast_in_dim3A_2 masked %lt3A_182 {add = true} : memref<5120xf32, #tpu.memory_space<vmem>>[vector<16xi32>], vector<16xf32>, vector<16xi1>
          %scan3A_183 = arith.constant 0 : i32
          scf.yield %scan3A_183 : i32
        }
        %scan3A_161 = arith.constant 8 : i32
        %mul3A_162 = arith.constant 128 : i32
        %mul3A_163 = arith.muli %while3A_142, %mul3A_162 : i32
        %dma_wait3A = arith.constant 0 : i32
        %dma_wait3A_164 = arith.constant 0 : i32
        %dma_wait3A_165 = tpu.memref_slice %arg9[%rem3A_145, %dma_wait3A, %dma_wait3A_164] : memref<3x128x128xf32, #tpu.memory_space<vmem>> -> memref<1x128x128xf32, #tpu.memory_space<vmem>>
        %dma_wait3A_166 = tpu.memref_squeeze %dma_wait3A_165 : memref<1x128x128xf32, #tpu.memory_space<vmem>> -> memref<128x128xf32, #tpu.memory_space<vmem>>
        %dma_wait3A_167 = tpu.memref_slice %arg6[%mul3A_163] : memref<10128xi32, #tpu.memory_space<vmem>> -> memref<128xi32, #tpu.memory_space<vmem>>
        %dma_wait3A_168 = arith.constant 0 : i32
        %dma_wait3A_169 = arith.constant 0 : i32
        %dma_wait3A_170 = tpu.memref_slice %arg2[%dma_wait3A_168, %dma_wait3A_169] : memref<10240x128xf32, #tpu.memory_space<hbm>> -> memref<10240x128xf32, #tpu.memory_space<hbm>>
        %dma_wait3A_171 = tpu.memref_slice %arg12[%rem3A_145] : memref<3x!tpu.dma_semaphore, #tpu.memory_space<semaphore_mem>> -> memref<1x!tpu.dma_semaphore, #tpu.memory_space<semaphore_mem>>
        %dma_wait3A_172 = tpu.memref_squeeze %dma_wait3A_171 : memref<1x!tpu.dma_semaphore, #tpu.memory_space<semaphore_mem>> -> memref<!tpu.dma_semaphore, #tpu.memory_space<semaphore_mem>>
        tpu.wait_indirect_dma semaphore(%dma_wait3A_172 : memref<!tpu.dma_semaphore, #tpu.memory_space<semaphore_mem>>) src(%dma_wait3A_170 : memref<10240x128xf32, #tpu.memory_space<hbm>>) dst(%dma_wait3A_166 : memref<128x128xf32, #tpu.memory_space<vmem>>)
        "tpu.region"() ({
          %run_scoped3A_174 = tpu.sem_alloc : memref<!tpu.dma_semaphore, #tpu.memory_space<semaphore_mem>>
          %dma_start3A = arith.constant 0 : i32
          %dma_start3A_175 = arith.constant 0 : i32
          %dma_start3A_176 = tpu.memref_slice %arg9[%rem3A_145, %dma_start3A, %dma_start3A_175] : memref<3x128x128xf32, #tpu.memory_space<vmem>> -> memref<1x128x128xf32, #tpu.memory_space<vmem>>
          %dma_start3A_177 = tpu.memref_squeeze %dma_start3A_176 : memref<1x128x128xf32, #tpu.memory_space<vmem>> -> memref<128x128xf32, #tpu.memory_space<vmem>>
          %dma_start3A_178 = arith.constant 0 : i32
          %dma_start3A_179 = tpu.memref_slice %arg8[%while3A_142, %dma_start3A_178] : memref<79x128xi32, #tpu.memory_space<vmem>> -> memref<1x128xi32, #tpu.memory_space<vmem>>
          %dma_start3A_180 = tpu.memref_squeeze %dma_start3A_179 : memref<1x128xi32, #tpu.memory_space<vmem>> -> memref<128xi32, #tpu.memory_space<vmem>>
          %dma_start3A_181 = arith.constant 0 : i32
          %dma_start3A_182 = arith.constant 0 : i32
          %dma_start3A_183 = tpu.memref_slice %arg11[%dma_start3A_181, %dma_start3A_182] : memref<5248x128xf32, #tpu.memory_space<vmem_shared>> -> memref<5248x128xf32, #tpu.memory_space<vmem_shared>>
          tpu.enqueue_indirect_dma source(%dma_start3A_177 : memref<128x128xf32, #tpu.memory_space<vmem>>) target(%dma_start3A_183 : memref<5248x128xf32, #tpu.memory_space<vmem_shared>>) offsets(%dma_start3A_180 : memref<128xi32, #tpu.memory_space<vmem>>) semaphore(%run_scoped3A_174 : memref<!tpu.dma_semaphore, #tpu.memory_space<semaphore_mem>>) {add = true}
          %dma_wait3A_184 = arith.constant 0 : i32
          %dma_wait3A_185 = arith.constant 0 : i32
          %dma_wait3A_186 = tpu.memref_slice %arg9[%rem3A_145, %dma_wait3A_184, %dma_wait3A_185] : memref<3x128x128xf32, #tpu.memory_space<vmem>> -> memref<1x128x128xf32, #tpu.memory_space<vmem>>
          %dma_wait3A_187 = tpu.memref_squeeze %dma_wait3A_186 : memref<1x128x128xf32, #tpu.memory_space<vmem>> -> memref<128x128xf32, #tpu.memory_space<vmem>>
          %dma_wait3A_188 = arith.constant 0 : i32
          %dma_wait3A_189 = tpu.memref_slice %arg8[%while3A_142, %dma_wait3A_188] : memref<79x128xi32, #tpu.memory_space<vmem>> -> memref<1x128xi32, #tpu.memory_space<vmem>>
          %dma_wait3A_190 = tpu.memref_squeeze %dma_wait3A_189 : memref<1x128xi32, #tpu.memory_space<vmem>> -> memref<128xi32, #tpu.memory_space<vmem>>
          %dma_wait3A_191 = arith.constant 0 : i32
          %dma_wait3A_192 = arith.constant 0 : i32
          %dma_wait3A_193 = tpu.memref_slice %arg11[%dma_wait3A_191, %dma_wait3A_192] : memref<5248x128xf32, #tpu.memory_space<vmem_shared>> -> memref<5248x128xf32, #tpu.memory_space<vmem_shared>>
          tpu.wait_indirect_dma semaphore(%run_scoped3A_174 : memref<!tpu.dma_semaphore, #tpu.memory_space<semaphore_mem>>) src(%dma_wait3A_187 : memref<128x128xf32, #tpu.memory_space<vmem>>) dst(%dma_wait3A_193 : memref<5248x128xf32, #tpu.memory_space<vmem_shared>>)
          tpu.yield
        }) : () -> ()
        %while3A_173 = arith.constant 0 : i32
        scf.yield %while3A_173 : i32
      }
      %scan3A_141 = arith.constant 0 : i32
      scf.yield %scan3A_141 : i32
    }
    %scan3A_30 = arith.constant 2 : i32
    %barrier3A_31 = arith.constant 0 : index
    tpu.barrier barrier_id(%barrier3A_31)
    %mul3A_32 = arith.constant 320 : i32
    %mul3A_33 = arith.muli %arg1, %mul3A_32 : i32
    %mul3A_34 = arith.constant 320 : i32
    %mul3A_35 = arith.muli %arg1, %mul3A_34 : i32
    %add3A = arith.addi %mul3A_3, %mul3A_35 : i32
    "tpu.region"() ({
      %run_scoped3A = tpu.sem_alloc : memref<!tpu.dma_semaphore, #tpu.memory_space<semaphore_mem>>
      %dma_start3A = arith.constant 0 : i32
      %dma_start3A_36 = tpu.memref_slice %arg4[%add3A, %dma_start3A] : memref<10240x128xf32, #tpu.memory_space<hbm>> -> memref<320x128xf32, #tpu.memory_space<hbm>>
      %dma_start3A_37 = arith.constant 0 : i32
      %dma_start3A_38 = tpu.memref_slice %arg11[%mul3A_33, %dma_start3A_37] : memref<5248x128xf32, #tpu.memory_space<vmem_shared>> -> memref<320x128xf32, #tpu.memory_space<vmem_shared>>
      tpu.enqueue_dma source(%dma_start3A_38 : memref<320x128xf32, #tpu.memory_space<vmem_shared>>) target(%dma_start3A_36 : memref<320x128xf32, #tpu.memory_space<hbm>>) target_semaphore(%run_scoped3A : memref<!tpu.dma_semaphore, #tpu.memory_space<semaphore_mem>>)
      %dma_wait3A = arith.constant 0 : i32
      %dma_wait3A_39 = tpu.memref_slice %arg4[%add3A, %dma_wait3A] : memref<10240x128xf32, #tpu.memory_space<hbm>> -> memref<320x128xf32, #tpu.memory_space<hbm>>
      %dma_wait3A_40 = arith.constant 0 : i32
      %dma_wait3A_41 = tpu.memref_slice %arg11[%mul3A_33, %dma_wait3A_40] : memref<5248x128xf32, #tpu.memory_space<vmem_shared>> -> memref<320x128xf32, #tpu.memory_space<vmem_shared>>
      tpu.wait_dma2 semaphore(%run_scoped3A : memref<!tpu.dma_semaphore, #tpu.memory_space<semaphore_mem>>) src(%dma_wait3A_41 : memref<320x128xf32, #tpu.memory_space<vmem_shared>>) dst(%dma_wait3A_39 : memref<320x128xf32, #tpu.memory_space<hbm>>)
      tpu.yield
    }) : () -> ()
    "tpu.region"() ({
      %run_scoped3A = tpu.sem_alloc : memref<!tpu.dma_semaphore, #tpu.memory_space<semaphore_mem>>
      %dma_start3A = arith.constant 0 : i32
      %dma_start3A_36 = tpu.memref_slice %arg5[%arg0, %arg1, %dma_start3A] : memref<2x16x5120xf32, #tpu.memory_space<hbm>> -> memref<1x1x5120xf32, #tpu.memory_space<hbm>>
      %dma_start3A_37 = tpu.memref_squeeze %dma_start3A_36 : memref<1x1x5120xf32, #tpu.memory_space<hbm>> -> memref<5120xf32, #tpu.memory_space<hbm>>
      %dma_start3A_38 = arith.constant 0 : i32
      %dma_start3A_39 = tpu.memref_slice %arg5[%arg0, %arg1, %dma_start3A_38] : memref<2x16x5120xf32, #tpu.memory_space<hbm>> -> memref<1x1x5120xf32, #tpu.memory_space<hbm>>
      %dma_start3A_40 = tpu.memref_squeeze %dma_start3A_39 : memref<1x1x5120xf32, #tpu.memory_space<hbm>> -> memref<5120xf32, #tpu.memory_space<hbm>>
      tpu.enqueue_dma source(%arg10 : memref<5120xf32, #tpu.memory_space<vmem>>) target(%dma_start3A_40 : memref<5120xf32, #tpu.memory_space<hbm>>) target_semaphore(%run_scoped3A : memref<!tpu.dma_semaphore, #tpu.memory_space<semaphore_mem>>)
      %dma_wait3A = arith.constant 0 : i32
      %dma_wait3A_41 = tpu.memref_slice %arg5[%arg0, %arg1, %dma_wait3A] : memref<2x16x5120xf32, #tpu.memory_space<hbm>> -> memref<1x1x5120xf32, #tpu.memory_space<hbm>>
      %dma_wait3A_42 = tpu.memref_squeeze %dma_wait3A_41 : memref<1x1x5120xf32, #tpu.memory_space<hbm>> -> memref<5120xf32, #tpu.memory_space<hbm>>
      %dma_wait3A_43 = arith.constant 0 : i32
      %dma_wait3A_44 = tpu.memref_slice %arg5[%arg0, %arg1, %dma_wait3A_43] : memref<2x16x5120xf32, #tpu.memory_space<hbm>> -> memref<1x1x5120xf32, #tpu.memory_space<hbm>>
      %dma_wait3A_45 = tpu.memref_squeeze %dma_wait3A_44 : memref<1x1x5120xf32, #tpu.memory_space<hbm>> -> memref<5120xf32, #tpu.memory_space<hbm>>
      tpu.wait_dma2 semaphore(%run_scoped3A : memref<!tpu.dma_semaphore, #tpu.memory_space<semaphore_mem>>) src(%arg10 : memref<5120xf32, #tpu.memory_space<vmem>>) dst(%dma_wait3A_45 : memref<5120xf32, #tpu.memory_space<hbm>>)
      tpu.yield
    }) : () -> ()
    return
  }
}

module attributes {stable_mosaic.version = 14 : i64} {
  func.func @_mlp_relu_body(%arg0: i32, %arg1: memref<1024x128xf32, #tpu.memory_space<vmem>>, %arg2: memref<128x128xf32, #tpu.memory_space<vmem>>, %arg3: memref<1x128xf32, #tpu.memory_space<vmem>>, %arg4: memref<1024x128xf32, #tpu.memory_space<vmem>>) attributes {dimension_semantics = [#tpu.dimension_semantics<arbitrary>], iteration_bounds = array<i64: 10>, scalar_prefetch = 0 : i64, scratch_operands = 0 : i64, tpu.core_type = #tpu.core_type<tc>, window_params = [{transform_indices = @transform_0, window_bounds = array<i64: 1024, 128>}, {pipeline_mode = #tpu.pipeline_mode<synchronous>, transform_indices = @transform_1, window_bounds = array<i64: 128, 128>}, {pipeline_mode = #tpu.pipeline_mode<synchronous>, transform_indices = @transform_2, window_bounds = array<i64: 1, 128>}, {transform_indices = @transform_3, window_bounds = array<i64: 1024, 128>}]} {
    %get3A = arith.constant 0 : index
    %get3A_0 = arith.constant 0 : index
    %get3A_1 = vector.load %arg1[%get3A, %get3A_0] : memref<1024x128xf32, #tpu.memory_space<vmem>>, vector<1024x128xf32>
    %get3A_2 = arith.constant 0 : index
    %get3A_3 = arith.constant 0 : index
    %get3A_4 = vector.load %arg2[%get3A_2, %get3A_3] : memref<128x128xf32, #tpu.memory_space<vmem>>, vector<128x128xf32>
    %dot_general3A = arith.constant dense<0.000000e+00> : vector<1024x128xf32>
    %dot_general3A_5 = tpu.matmul %get3A_1, %get3A_4, %dot_general3A {dimension_numbers = #tpu.dot_dimension_numbers<[1], [0], [0], [1], [0, 0, 1, 1], [], []>, transpose_lhs_hint = false} : vector<1024x128xf32>, vector<128x128xf32>, vector<1024x128xf32> -> vector<1024x128xf32>
    %get3A_6 = arith.constant 0 : index
    %get3A_7 = arith.constant 0 : index
    %get3A_8 = vector.load %arg3[%get3A_6, %get3A_7] : memref<1x128xf32, #tpu.memory_space<vmem>>, vector<1x128xf32>
    %add3A = vector.broadcast %get3A_8 : vector<1x128xf32> to vector<1024x128xf32>
    %add3A_9 = arith.addf %dot_general3A_5, %add3A : vector<1024x128xf32>
    %max3A = arith.constant 0.000000e+00 : f32
    %max3A_10 = vector.broadcast %max3A : f32 to vector<1024x128xf32>
    %max3A_11 = arith.maximumf %add3A_9, %max3A_10 : vector<1024x128xf32>
    %swap3A = arith.constant 0 : index
    %swap3A_12 = arith.constant 0 : index
    %swap3A_13 = vector.load %arg4[%swap3A, %swap3A_12] : memref<1024x128xf32, #tpu.memory_space<vmem>>, vector<1024x128xf32>
    tpu.vector_store %arg4[%swap3A, %swap3A_12], %max3A_11 {strides = array<i32>} : memref<1024x128xf32, #tpu.memory_space<vmem>>, vector<1024x128xf32>,
    return
  }
  func.func @transform_0(%arg0: i32) -> (i32, i32) {
    %c0_i32 = arith.constant 0 : i32
    %c0_i32_0 = arith.constant 0 : i32
    return %arg0, %c0_i32 : i32, i32
  }
  func.func @transform_1(%arg0: i32) -> (i32, i32) {
    %c0_i32 = arith.constant 0 : i32
    %c0_i32_0 = arith.constant 0 : i32
    %c0_i32_1 = arith.constant 0 : i32
    return %c0_i32, %c0_i32_0 : i32, i32
  }
  func.func @transform_2(%arg0: i32) -> (i32, i32) {
    %c0_i32 = arith.constant 0 : i32
    %c0_i32_0 = arith.constant 0 : i32
    %c0_i32_1 = arith.constant 0 : i32
    return %c0_i32, %c0_i32_0 : i32, i32
  }
  func.func @transform_3(%arg0: i32) -> (i32, i32) {
    %c0_i32 = arith.constant 0 : i32
    %c0_i32_0 = arith.constant 0 : i32
    return %arg0, %c0_i32 : i32, i32
  }
}

module attributes {stable_mosaic.version = 14 : i64} {
  func.func @_update_body(%arg0: i32, %arg1: memref<1024x128xf32, #tpu.memory_space<vmem>>, %arg2: memref<1x16x1024xf32, #tpu.memory_space<vmem>>, %arg3: memref<1024x128xf32, #tpu.memory_space<vmem>>, %arg4: memref<128x128xf32, #tpu.memory_space<vmem>>, %arg5: memref<1x128xf32, #tpu.memory_space<vmem>>, %arg6: memref<1024x128xf32, #tpu.memory_space<vmem>>) attributes {dimension_semantics = [#tpu.dimension_semantics<arbitrary>], iteration_bounds = array<i64: 10>, scalar_prefetch = 0 : i64, scratch_operands = 0 : i64, tpu.core_type = #tpu.core_type<tc>, window_params = [{transform_indices = @transform_0, window_bounds = array<i64: 1024, 128>}, {transform_indices = @transform_1, window_bounds = array<i64: 1, 16, 1024>}, {transform_indices = @transform_2, window_bounds = array<i64: 1024, 128>}, {pipeline_mode = #tpu.pipeline_mode<synchronous>, transform_indices = @transform_3, window_bounds = array<i64: 128, 128>}, {pipeline_mode = #tpu.pipeline_mode<synchronous>, transform_indices = @transform_4, window_bounds = array<i64: 1, 128>}, {transform_indices = @transform_5, window_bounds = array<i64: 1024, 128>}]} {
    %broadcast_in_dim3A = arith.constant 1.000000e+00 : f32
    %broadcast_in_dim3A_0 = vector.broadcast %broadcast_in_dim3A : f32 to vector<16x128xf32>
    %get3A = arith.constant 0 : index
    %get3A_1 = arith.constant 0 : index
    %get3A_2 = arith.constant 0 : index
    %get3A_3 = vector.load %arg2[%get3A, %get3A_1, %get3A_2] : memref<1x16x1024xf32, #tpu.memory_space<vmem>>, vector<1x16x1024xf32>
    %get3A_4 = vector.shape_cast %get3A_3 : vector<1x16x1024xf32> to vector<16x1024xf32>
    %dot_general3A = arith.constant dense<0.000000e+00> : vector<1024x128xf32>
    %dot_general3A_5 = tpu.matmul %get3A_4, %broadcast_in_dim3A_0, %dot_general3A {dimension_numbers = #tpu.dot_dimension_numbers<[0], [0], [1], [1], [0, 1, 1, 1], [], []>, transpose_lhs_hint = false} : vector<16x1024xf32>, vector<16x128xf32>, vector<1024x128xf32> -> vector<1024x128xf32>
    %get3A_6 = arith.constant 0 : index
    %get3A_7 = arith.constant 0 : index
    %get3A_8 = vector.load %arg1[%get3A_6, %get3A_7] : memref<1024x128xf32, #tpu.memory_space<vmem>>, vector<1024x128xf32>
    %max3A = arith.constant 1.000000e+00 : f32
    %max3A_9 = vector.broadcast %max3A : f32 to vector<1024x128xf32>
    %max3A_10 = arith.maximumf %dot_general3A_5, %max3A_9 : vector<1024x128xf32>
    %div3A = arith.divf %get3A_8, %max3A_10 : vector<1024x128xf32>
    %get3A_11 = arith.constant 0 : index
    %get3A_12 = arith.constant 0 : index
    %get3A_13 = vector.load %arg4[%get3A_11, %get3A_12] : memref<128x128xf32, #tpu.memory_space<vmem>>, vector<128x128xf32>
    %dot_general3A_14 = arith.constant dense<0.000000e+00> : vector<1024x128xf32>
    %dot_general3A_15 = tpu.matmul %div3A, %get3A_13, %dot_general3A_14 {dimension_numbers = #tpu.dot_dimension_numbers<[1], [0], [0], [1], [0, 0, 1, 1], [], []>, transpose_lhs_hint = false} : vector<1024x128xf32>, vector<128x128xf32>, vector<1024x128xf32> -> vector<1024x128xf32>
    %get3A_16 = arith.constant 0 : index
    %get3A_17 = arith.constant 0 : index
    %get3A_18 = vector.load %arg5[%get3A_16, %get3A_17] : memref<1x128xf32, #tpu.memory_space<vmem>>, vector<1x128xf32>
    %add3A = vector.broadcast %get3A_18 : vector<1x128xf32> to vector<1024x128xf32>
    %add3A_19 = arith.addf %dot_general3A_15, %add3A : vector<1024x128xf32>
    %max3A_20 = arith.constant 0.000000e+00 : f32
    %max3A_21 = vector.broadcast %max3A_20 : f32 to vector<1024x128xf32>
    %max3A_22 = arith.maximumf %add3A_19, %max3A_21 : vector<1024x128xf32>
    %get3A_23 = arith.constant 0 : index
    %get3A_24 = arith.constant 0 : index
    %get3A_25 = vector.load %arg3[%get3A_23, %get3A_24] : memref<1024x128xf32, #tpu.memory_space<vmem>>, vector<1024x128xf32>
    %add3A_26 = arith.addf %max3A_22, %get3A_25 : vector<1024x128xf32>
    %swap3A = arith.constant 0 : index
    %swap3A_27 = arith.constant 0 : index
    %swap3A_28 = vector.load %arg6[%swap3A, %swap3A_27] : memref<1024x128xf32, #tpu.memory_space<vmem>>, vector<1024x128xf32>
    tpu.vector_store %arg6[%swap3A, %swap3A_27], %add3A_26 {strides = array<i32>} : memref<1024x128xf32, #tpu.memory_space<vmem>>, vector<1024x128xf32>,
    return
  }
  func.func @transform_0(%arg0: i32) -> (i32, i32) {
    %c0_i32 = arith.constant 0 : i32
    %c0_i32_0 = arith.constant 0 : i32
    return %arg0, %c0_i32 : i32, i32
  }
  func.func @transform_1(%arg0: i32) -> (i32, i32, i32) {
    %jit3A = arith.constant 5 : i32
    %div3A = arith.divsi %arg0, %jit3A : i32
    %sign3A = arith.constant 0 : i32
    %sign3A_0 = arith.cmpi sgt, %arg0, %sign3A : i32
    %sign3A_1 = arith.extui %sign3A_0 : i1 to i32
    %sign3A_2 = arith.constant 0 : i32
    %sign3A_3 = arith.cmpi slt, %arg0, %sign3A_2 : i32
    %sign3A_4 = arith.extui %sign3A_3 : i1 to i32
    %sign3A_5 = arith.subi %sign3A_1, %sign3A_4 : i32
    %sign3A_6 = arith.constant 0 : i32
    %sign3A_7 = arith.cmpi sgt, %jit3A, %sign3A_6 : i32
    %sign3A_8 = arith.extui %sign3A_7 : i1 to i32
    %sign3A_9 = arith.constant 0 : i32
    %sign3A_10 = arith.cmpi slt, %jit3A, %sign3A_9 : i32
    %sign3A_11 = arith.extui %sign3A_10 : i1 to i32
    %sign3A_12 = arith.subi %sign3A_8, %sign3A_11 : i32
    %ne3A = arith.cmpi ne, %sign3A_5, %sign3A_12 : i32
    %rem3A = arith.remsi %arg0, %jit3A : i32
    %ne3A_13 = arith.constant 0 : i32
    %ne3A_14 = arith.cmpi ne, %rem3A, %ne3A_13 : i32
    %and3A = arith.andi %ne3A, %ne3A_14 : i1
    %sub3A = arith.constant 1 : i32
    %sub3A_15 = arith.subi %div3A, %sub3A : i32
    %select_n3A = arith.select %and3A, %sub3A_15, %div3A : i32
    %jit3A_16 = arith.constant 5 : i32
    %eq3A = arith.constant 0 : i32
    %eq3A_17 = arith.cmpi eq, %jit3A_16, %eq3A : i32
    %jit3A_18 = arith.constant 1 : i32
    %select_n3A_19 = arith.select %eq3A_17, %jit3A_18, %jit3A_16 : i32
    %rem3A_20 = arith.remsi %arg0, %select_n3A_19 : i32
    %ne3A_21 = arith.constant 0 : i32
    %ne3A_22 = arith.cmpi ne, %rem3A_20, %ne3A_21 : i32
    %lt3A = arith.constant 0 : i32
    %lt3A_23 = arith.cmpi slt, %rem3A_20, %lt3A : i32
    %lt3A_24 = arith.constant 0 : i32
    %lt3A_25 = arith.cmpi slt, %select_n3A_19, %lt3A_24 : i32
    %ne3A_26 = arith.xori %lt3A_23, %lt3A_25 : i1
    %and3A_27 = arith.andi %ne3A_26, %ne3A_22 : i1
    %add3A = arith.addi %rem3A_20, %select_n3A_19 : i32
    %select_n3A_28 = arith.select %and3A_27, %add3A, %rem3A_20 : i32
    %c0_i32 = arith.constant 0 : i32
    %c0_i32_29 = arith.constant 0 : i32
    return %select_n3A, %c0_i32, %select_n3A_28 : i32, i32, i32
  }
  func.func @transform_2(%arg0: i32) -> (i32, i32) {
    %c0_i32 = arith.constant 0 : i32
    %c0_i32_0 = arith.constant 0 : i32
    return %arg0, %c0_i32 : i32, i32
  }
  func.func @transform_3(%arg0: i32) -> (i32, i32) {
    %c0_i32 = arith.constant 0 : i32
    %c0_i32_0 = arith.constant 0 : i32
    %c0_i32_1 = arith.constant 0 : i32
    return %c0_i32, %c0_i32_0 : i32, i32
  }
  func.func @transform_4(%arg0: i32) -> (i32, i32) {
    %c0_i32 = arith.constant 0 : i32
    %c0_i32_0 = arith.constant 0 : i32
    %c0_i32_1 = arith.constant 0 : i32
    return %c0_i32, %c0_i32_0 : i32, i32
  }
  func.func @transform_5(%arg0: i32) -> (i32, i32) {
    %c0_i32 = arith.constant 0 : i32
    %c0_i32_0 = arith.constant 0 : i32
    return %arg0, %c0_i32 : i32, i32
  }
}

</mosaic_0001>

<sc_bundles>
// kernel: kernel.5.cloned.1.call-start
scs
__scs_entry_jumppad:
0x0: {  	(pc) =	sbr.rel $0x88, $3  }
0x1: {  	(tag) =	ssettag $0x0;
	lr =	simm.s32 $0x1  }
0x2: {  	[smem:$0x3F9B] =	sst lr;
	_ =	strace $0xD0000000  }
0x3: {  	_ = 	snop  }
0x4: {  	_ = 	snop  }
0x5: {  	_ = 	snop  }
0x6: {  	_ = 	snop  }
0x7: {  	_ = 	snop  }
__scs_overlays_trampoline_lowered:
0x8: {  	[smem:$0x3FAA] =	sst s0  }
0x9: {  	[smem:$0x3FAB] =	sst s1  }
0xa: {  	[smem:$0x3FAC] =	sst s2  }
0xb: {  	[smem:$0x3FAD] =	sst s3  }
0xc: {  	[smem:$0x3FAE] =	sst s4  }
0xd: {  	[smem:$0x3FAF] =	sst s5  }
0xe: {  	[smem:$0x3FB0] =	sst s6  }
0xf: {  	[smem:$0x3FB1] =	sst s7  }
0x10: {  	[smem:$0x3FB2] =	sst s8  }
0x11: {  	[smem:$0x3FB3] =	sst s9;
	s0 =	simm.s32 @!p0 $0x0  }
0x12: {  	s1 =	sld [smem:$0x3F99];
	s0 =	simm.s32 @p0 $0x1  }
0x13: {  	[smem:$0x3FB4] =	sst s0;
	s0 =	simm.s32 @!p1 $0x0  }
0x14: {  	s2 =	sld [smem:$0x3F98];
	s0 =	simm.s32 @p1 $0x1  }
0x15: {  	[smem:$0x3FB5] =	sst s0;
	s0 =	simm.s32 @!p2 $0x0  }
0x16: {  	s3 =	sld [smem:$0x3FDB];
	s0 =	simm.s32 @p2 $0x1  }
0x17: {  	s4 =	simm.s32 $0x1BF5;
	[smem:$0x3FB7] =	sst s0  }
0x18: {  	s0 =	sld [smem:$0x3F9A];
	_ =	swait.ge [sflag:s4], $0x0  }
0x19: {  	s7 =	sld [smem:$0x3F9B]  }
0x1a: {  	s8 =	sadd.s32 $0xFFFFE003, lr  }
0x1b: {  	s9 =	sadd.s32 $0xFFFFFEF7, lr;
	s5 =	simm.s32 $0xFFFFFFFF;
	p2 =	slt.u32 s8, $0xFFFFF086  }
0x1c: {  	p1 =	slt.u32 s9, $0xF7A;
	s5 =	simm.s32 @!p2 $0x0  }
0x1d: {  	s5 =	simm.s32 @p1 $0x1;
	p0 =	seq.s32 s7, s2  }
0x1e: {  	s7 =	smul.u32 @!p0 $0xF7A, s2;
	p2 =	seq.s32 @!p0 s5, $0x0  }
0x1f: {  	s9 =	smul.u32 $0xF7A, s1;
	s8 =	simm.s32 @!p0 $0x1BF5;
	p2 =	por !p2, p0  }
0x20: {  	[sflag:s8] =	ssyncset.s32 @!p0 $0xFFFFF086;
	s6 =	sadd.s32 @!p0 s3, s7;
	s7 =	simm.s32 @!p0 $0x108  }
0x21: {  	s3 =	sadd.s32 s3, s9;
	s6 =	sadd.s32 @!p0 $0x88, s6;
	s7 =	simm.s32 @p2 $0x1082  }
0x22: {  	[simem:s7], [sflag:s8] =	dma.local @!p0 [hbm:s6], $0xF7A  }
0x23: {  	s9 =	sor.u32 $0xD0000000, s2;
	s6 =	simm.s32 $0x108;
	_ =	swait.ge @!p0 [sflag:s8], $0x0  }
0x24: {  	s3 =	sadd.s32 $0x88, s3;
	s6 =	simm.s32 @!p1 $0x1082;
	[sflag:s4] =	ssyncset.s32 $0xFFFFF086  }
0x25: {  	[simem:s6], [sflag:s4] =	dma.local [hbm:s3], $0xF7A  }
0x26: {  	[smem:$0x3F9B] =	sst s1;
	(tag) =	ssettag s2;
	_ =	strace s9  }
0x27: {  	s1 =	sld [smem:$0x3FAB]  }
0x28: {  	s2 =	sld [smem:$0x3FAC]  }
0x29: {  	s4 =	sld [smem:$0x3FAE]  }
0x2a: {  	p0 =	seq.s32 s5, $0x0;
	s5 =	sld [smem:$0x3FAF]  }
0x2b: {  	s6 =	sld [smem:$0x3FB0]  }
0x2c: {  	s7 =	sld [smem:$0x3FB1]  }
0x2d: {  	s3 =	simm.s32 $0x108;
	s8 =	sld [smem:$0x3FB2]  }
0x2e: {  	s3 =	simm.s32 @!p0 $0x1082;
	s9 =	sld [smem:$0x3FB3]  }
0x2f: {  	lr =	sadd.s32 s0, s3;
	s0 =	sld [smem:$0x3FAA]  }
0x30: {  	s3 =	sld [smem:$0x3FAD]  }
0x31: {  	[smem:$0x3FB6] =	sst s10  }
0x32: {  	s10 =	sld [smem:$0x3FB4];
	_ =	sdelay $0x3  }
0x33: {  	p0 =	seq.s32 s10, $0x1;
	s10 =	sld [smem:$0x3FB6];
	_ =	sdelay $0x3  }
0x34: {  	[smem:$0x3FB6] =	sst s10  }
0x35: {  	s10 =	sld [smem:$0x3FB5];
	_ =	sdelay $0x3  }
0x36: {  	p1 =	seq.s32 s10, $0x1;
	s10 =	sld [smem:$0x3FB6];
	_ =	sdelay $0x3  }
0x37: {  	[smem:$0x3FB6] =	sst s10  }
0x38: {  	s10 =	sld [smem:$0x3FB7]  }
0x39: {  	_ = 	snop;
	(pc) =	sbr.ind lr, $3  }
0x3a: {  	_ = 	snop  }
0x3b: {  	_ = 	snop  }
0x3c: {  	p2 =	seq.s32 s10, $0x1;
	s10 =	sld [smem:$0x3FB6]  }
0x3d: {  	_ =	shalt  }
0x3e: {  	_ =	shalt  }
0x3f: {  	_ =	shalt  }
0x40: {  	_ =	shalt  }
0x41: {  	_ =	shalt  }
0x42: {  	_ =	shalt  }
0x43: {  	_ =	shalt  }
0x44: {  	_ =	shalt  }
0x45: {  	_ =	shalt  }
0x46: {  	_ =	shalt  }
0x47: {  	_ =	shalt  }
0x48: {  	_ =	shalt  }
0x49: {  	_ =	shalt  }
0x4a: {  	_ =	shalt  }
0x4b: {  	_ =	shalt  }
0x4c: {  	_ =	shalt  }
0x4d: {  	_ =	shalt  }
0x4e: {  	_ =	shalt  }
0x4f: {  	_ =	shalt  }
0x50: {  	_ =	shalt  }
0x51: {  	_ =	shalt  }
0x52: {  	_ =	shalt  }
0x53: {  	_ =	shalt  }
0x54: {  	_ =	shalt  }
0x55: {  	_ =	shalt  }
0x56: {  	_ =	shalt  }
0x57: {  	_ =	shalt  }
0x58: {  	_ =	shalt  }
0x59: {  	_ =	shalt  }
0x5a: {  	_ =	shalt  }
0x5b: {  	_ =	shalt  }
0x5c: {  	_ =	shalt  }
0x5d: {  	_ =	shalt  }
0x5e: {  	_ =	shalt  }
0x5f: {  	_ =	shalt  }
0x60: {  	_ =	shalt  }
0x61: {  	_ =	shalt  }
0x62: {  	_ =	shalt  }
0x63: {  	_ =	shalt  }
0x64: {  	_ =	shalt  }
0x65: {  	_ =	shalt  }
0x66: {  	_ =	shalt  }
0x67: {  	_ =	shalt  }
0x68: {  	_ =	shalt  }
0x69: {  	_ =	shalt  }
0x6a: {  	_ =	shalt  }
0x6b: {  	_ =	shalt  }
0x6c: {  	_ =	shalt  }
0x6d: {  	_ =	shalt  }
0x6e: {  	_ =	shalt  }
0x6f: {  	_ =	shalt  }
0x70: {  	_ =	shalt  }
0x71: {  	_ =	shalt  }
0x72: {  	_ =	shalt  }
0x73: {  	_ =	shalt  }
0x74: {  	_ =	shalt  }
0x75: {  	_ =	shalt  }
0x76: {  	_ =	shalt  }
0x77: {  	_ =	shalt  }
0x78: {  	_ =	shalt  }
0x79: {  	_ =	shalt  }
0x7a: {  	_ =	shalt  }
0x7b: {  	_ =	shalt  }
0x7c: {  	_ =	shalt  }
0x7d: {  	_ =	shalt  }
0x7e: {  	_ =	shalt  }
0x7f: {  	_ =	shalt  }
0x80: {  	_ =	shalt  }
0x81: {  	_ =	shalt  }
0x82: {  	_ =	shalt  }
0x83: {  	_ =	shalt  }
0x84: {  	_ =	shalt  }
0x85: {  	_ =	shalt  }
0x86: {  	_ =	shalt  }
0x87: {  	_ =	shalt  }
.Lfunc_end0:
.L_simem_size_0:
called_computation_lowered:
.L_overlay_start_0:
0x88: {  	s2 =	sld [smem:$0x3FD9]  }
0x89: {  	s3 =	sld [smem:$0x3FFE];
	_ =	sdelay $0x1  }
0x8a: {  	s1 =	srdreg.scid  }
0x8b: {  	s0 =	sand.u32 $0x1, s1  }
0x8c: {  	s17 =	sshll.u32 s0, $0xA;
	s2 =	sadd.s32 s3, s2  }
0x8d: {  	s2 =	sadd.s32 s2, s17  }
0x8e: {  	[smem:$0x3FC2] =	sst s2  }
0x8f: {  	_ = 	snop  }
0x90: {  	s2 =	sld [smem:$0x3FC8]  }
0x91: {  	s18 =	sld [smem:$0x3FD0];
	(tm) =	ssettm $0x1  }
0x92: {  	s4 =	sld [smem:$0x3FFB];
	_ =	sdelay $0x3  }
0x93: {  	_ =	strace s4  }
0x94: {  	s4 =	sld [smem:$0x3FFC];
	_ =	sdelay $0x3  }
0x95: {  	_ =	strace s4  }
0x96: {  	s4 =	sld [smem:$0x3FFD];
	_ =	sdelay $0x3  }
0x97: {  	_ =	strace s4  }
0x98: {  	_ =	strace $0x8FFFFFFF  }
0x99: {  	s19 =	sld [smem:$0x3FDB];
	_ =	sdelay $0x1  }
0x9a: {  	s5 =	simm.s32 $_scs_section_size  }
0x9b: {  	s6 =	simm.s32 $_size__tile_overlayer_lowered;
	s7 =	simm.s32 $_tile_overlayer_lowered  }
0x9c: {  	s22 =	simm.s32 $0x1BFF;
	s21 =	sshll.u32 s7, $0x1;
	s4 =	sadd.s32 s5, s19  }
0x9d: {  	s8 =	simm.s32 $0x0;
	s20 =	sshll.u32 s6, $0x1;
	s6 =	sadd.s32 s21, s4  }
0x9e: {  	[timem:s8], [sflag:s22] =	dma.local [hbm:s6], s20  }
0x9f: {  	_ =	swait.ge [sflag:s22], s20  }
0xa0: {  	s5 =	ssub.s32 $0x0, s20;
	[sflag:s22] =	ssyncset.done $0x0  }
0xa1: {  	[sflag:s22] =	ssyncadd.s32 s5;
	_ =	sdelay $0x1  }
0xa2: {  	s23 =	simm.s32 $0x1B8B  }
0xa3: {  	_ =	swait.ge [sflag:s23], $0x1  }
0xa4: {  	[sflag:s23] =	ssyncset.done $0x0  }
0xa5: {  	s25 =	simm.s32 $0x1B8E;
	s24 =	sld [smem:$0x3FFE];
	[sflag:s23] =	ssyncadd.s32 $0xFFFFFFFF  }
0xa6: {  	s26 =	simm.s32 $execute0_lowered;
	[smem:$0x3FD2] =	sst s25  }
0xa7: {  	s6 =	sshll.u32 s26, $0x1;
	_ =	strace $0x80000046;
	[dreg:$0x1] =	wrdreg $0xFFFFFFFF  }
0xa8: {  	s28 =	simm.s32 $_size_execute0_lowered;
	s4 =	sadd.s32 s4, s6;
	[dreg:$0x0] =	wrdreg $0x0  }
0xa9: {  	s6 =	sshll.u32 s28, $0x1;
	[dreg:$0x2] =	wrdreg s4  }
0xaa: {  	[dreg:$0x3] =	wrdreg s6  }
0xab: {  	[dreg:$0x4] =	wrdreg $0xC0  }
0xac: {  	_ =	task [dreg:s8], $0x5FFFF  }
0xad: {  	[dreg:$0x1] =	wrdreg $0xFFFFFFFF  }
0xae: {  	[dreg:$0x0] =	wrdreg $0x60  }
0xaf: {  	[dreg:$0x2] =	wrdreg s24  }
0xb0: {  	[dreg:$0x3] =	wrdreg s2  }
0xb1: {  	[dreg:$0x4] =	wrdreg s18  }
0xb2: {  	[dreg:$0x5] =	wrdreg $0x14C000  }
0xb3: {  	[dreg:$0x6] =	wrdreg $0x9  }
0xb4: {  	_ =	task.clear_ibuf [dreg:s8], $0x7FFFF;
	_ =	strace $0x90000046  }
0xb5: {  	s29 =	simm.s32 $0x9;
	_ =	strace $0x80000048  }
0xb6: {  	_ =	swait.ge [sflag:s29], $0x1  }
0xb7: {  	[sflag:s29] =	ssyncadd.s32 $0xFFFFFFFF  }
0xb8: {  	_ =	strace $0x90000048  }
0xb9: {  	_ =	sfence  }
0xba: {  	s30 =	sld [smem:$0x0];
	_ =	sdelay $0x2  }
0xbb: {  	s31 =	sshll.u32 s1, $0xD;
	s1 =	sshrl.u32 s1, $0x2  }
0xbc: {  	s3 =	sand.u32 $0x4000, s31;
	s1 =	sadd.s32 s1, s30  }
0xbd: {  	s0 =	sor.u32 s3, s0;
	s1 =	sshll.u32 s1, $0x11  }
0xbe: {  	s0 =	sor.u32 s1, s0  }
0xbf: {  	s0 =	sadd.s32 $0x8F2B, s0  }
0xc0: {  	[sflag:s0] =	ssyncadd.remote.s32 $0x1  }
0xc1: {  	_ =	sfence.sel $0xFFFF  }
0xc2: {  	[dreg:$0x0] =	wrdreg $0xFFFFFFFF;
	(pc) =	sbr.abs _section_cstart, $3  }
0xc3: {  	[dreg:$0x1] =	wrdreg $0xFFFFFFFF  }
0xc4: {  	_ =	task.clear_ibuf [dreg:s8], $0x2FFFF;
	_ =	strace $0x9FFFFFFF  }
0xc5: {  	(tm) =	ssettm $0x7FFFFFFF  }
tec
execute0_lowered:
.L_overlay_start_1:
0x0: {  	(tag) =	ssettag $0x1  }
0x1: {  	s6 =	rddreg [dreg:$0x0]  }
0x2: {  	s0 =	rddreg [dreg:$0x1]  }
0x3: {  	s9 =	rddreg [dreg:$0x2]  }
0x4: {  	s1 =	srdreg.scid;
	s3 =	rddreg [dreg:$0x3]  }
0x5: {  	s24 =	stileid.u32;
	s4 =	simm.s32 $0x0;
	s15 =	simm.s32 $0x4  }
0x6: {  	s17 =	simm.s32 $0x100;
	s18 =	simm.s32 $0x2800;
	s19 =	simm.s32 $0x13800  }
0x7: {  	s7 =	sand.u32 $0x1, s1;
	s8 =	smul.u32 $0x140, s24;
	[smem:$0x7FF] =	sst s4  }
0x8: {  	s5 =	sadd.s32 $0x2000, s6;
	s11 =	smul.u32 $0x28000, s24;
	s25 =	sshrl.u32 s24, $0x3  }
0x9: {  	s14 =	sshll.u32 s24, $0x7;
	s29 =	sshll.u32 s24, $0xE;
	s16 =	smul.u32 $0x1400, s7  }
0xa: {  	s30 =	sor.u32 $0x20, s24;
	_ =	strace $0x80000047;
	s13 =	smul.u32 $0x14000, s7  }
0xb: {  	s10 =	ssub.s32 $0x2, s7;
	s26 =	smul.u32 $0xA000, s25;
	s7 =	sadd.s32 $0x10, s0  }
0xc: {  	s28 =	sand.u32 $0x380, s14;
	s31 =	sshll.u32 s30, $0xE;
	p0 =	sgt.u32 s30, $0x28  }
0xd: {  	s12 =	sshrl.u32 s10, $0x1;
	s11 =	sshrl.u32 s11, $0x2;
	s1 =	simm.s32 @!p0 $0x0  }
0xe: {  	s8 =	sadd.s32 s8, s16;
	s12 =	ssub.s32 s10, s12;
	s10 =	sadd.s32 s13, s26  }
0xf: {  	s20 =	sadd.s32 s11, s3;
	s13 =	sadd.s32 s31, s3;
	s1 =	simm.s32 @p0 $0x1  }
.Ltmp0:
0x10: {  	v0 =	vmov s16;
	s16 =	simm.s32 $0x80;
	s8 =	sshll.u32 s8, $0x4;
	(pc) =	sbr.rel .LBB2_1-.Ltmp0, $4  }
0x11: {  	s10 =	sor.u32 s28, s10;
	s11 =	smax.u32 s12, $0x1;
	[smem:$0x7FD] =	sst s1  }
0x12: {  	s20 =	sshrl.u32 s20, $0x3;
	s8 =	sadd.s32 s8, s6;
	s10 =	sshrl.u32 s10, $0x3  }
0x13: {  	v1 =	vimm.f32 $0.0e+00;
	v2 =	vlaneseq.u32;
	s2 =	sadd.s32 $0x2A000, s8;
	s9 =	sadd.s32 s9, s10;
	s10 =	sadd.s32 s29, s3  }
0x14: {  	v5 =	vimm.f32 $1.000000000e+00;
	v3 =	vor.u32 $0x2740, v2;
	v4 =	vor.u32 $0x1430, v2;
	s6 =	smul.u32 $0x4F00, s24;
	[dreg:$0x5] =	wrdreg s2;
	s12 =	sadd.s32 $0x40000, s10  }
.LBB2_19:
0x15: {  	s1 =	stileid.u32  }
0x16: {  	[bflag:$0x0] =	sbarrier.arrive $0xFFFF;
	s1 =	sshll.u32 s1, $0x6  }
0x17: {  	s2 =	rddreg [dreg:$0x5];
	s1 =	sor.u32 $0x1C04, s1  }
0x18: {  	[hbm:s2], [sflag:s1] =	dma.local [spmem:s20], $0x1400  }
0x19: {  	s4 =	sadd.s32 $0x1, s4;
	_ =	swait.ge [sflag:s15], $0x1400  }
0x1a: {  	p0 =	sne.s32 s4, s11;
	[sflag:s15] =	ssyncset.done $0x0  }
.Ltmp1:
0x1b: {  	s31 =	simm.s32 $0x400;
	[sflag:s15] =	ssyncadd.s32 $0xFFFFEC00;
	(pc) =	sbr.rel @!p0 .LBB2_20-.Ltmp1, $4  }
0x1c: {  	[hbm4b:s9+s16] =	stream.strided.scatter [tilespmem:s19], [sflag:$0x4], $0x1400, s31, s16, $0x38;
	[tilespmem:$0x1F000] =	vst v63  }
0x1d: {  	_ =	swait.ge [sflag:s15], $0x1400  }
0x1e: {  	[sflag:s15] =	ssyncset.done $0x0  }
0x1f: {  	[sflag:s15] =	ssyncadd.s32 $0xFFFFEC00  }
.LBB2_1:
0x20: {  	s22 =	simm.s32 $0x0;
	s23 =	simm.s32 $0x200  }
.LBB2_2:
0x21: {  	p1 =	sne.s32 s23, $0xFE00;
	[tilespmem:s22+$0x7870] =	vst v1  }
0x22: {  	[tilespmem:s22+$0x7800] =	vst v1  }
0x23: {  	[tilespmem:s22+$0x7810] =	vst v1  }
.Ltmp2:
0x24: {  	[tilespmem:s22+$0x7820] =	vst v1;
	(pc) =	sbr.rel @p1 .LBB2_2-.Ltmp2, $4  }
0x25: {  	[tilespmem:s22+$0x7830] =	vst v1  }
0x26: {  	[tilespmem:s22+$0x7840] =	vst v1  }
0x27: {  	[tilespmem:s22+$0x7850] =	vst v1  }
0x28: {  	[tilespmem:s22+$0x7860] =	vst v1;
	s22 =	sshra.s32 s23, $0x2;
	s23 =	sadd.s32 $0x200, s23  }
0x29: {  	[tilespmem:s22+$0x7870] =	vst v1  }
0x2a: {  	[tilespmem:s22+$0x7800] =	vst v1  }
0x2b: {  	[tilespmem:s22+$0x7810] =	vst v1  }
0x2c: {  	[tilespmem:s22+$0x7820] =	vst v1  }
0x2d: {  	[tilespmem:s22+$0x7830] =	vst v1  }
0x2e: {  	[tilespmem:s22+$0x7840] =	vst v1  }
0x2f: {  	[tilespmem:s22+$0x7850] =	vst v1  }
0x30: {  	[tilespmem:s22+$0x7860] =	vst v1;
	s22 =	simm.s32 $0x40;
	s23 =	simm.s32 $0x0  }
.LBB2_4:
0x31: {  	p1 =	sne.s32 s22, $0x4FC0;
	[tilespmem:s23+$0x13800] =	vst v1;
	s23 =	smov.u32 s22;
	s22 =	sadd.s32 $0x40, s22  }
.Ltmp3:
0x32: {  	(pc) =	sbr.rel @p1 .LBB2_4-.Ltmp3, $2  }
0x33: {  	_ =	sdelay $0x2  }
0x34: {  	s23 =	sshra.s32 s23, $0x2  }
0x35: {  	[tilespmem:s23+$0x13800] =	vst v1;
	s1 =	simm.s32 $0x7800  }
0x36: {  	[spmem:s10] =	stream.linear.scatter [tilespmem:s1], [sflag:$0x4], $0x4000, $0x38;
	[tilespmem:$0x1F000] =	vst v63  }
0x37: {  	_ =	swait.ge [sflag:s15], $0x4000  }
0x38: {  	[sflag:s15] =	ssyncset.done $0x0  }
0x39: {  	[sflag:s15] =	ssyncadd.s32 $0xFFFFC000  }
0x3a: {  	[spmem:s12] =	stream.linear.scatter [tilespmem:s1], [sflag:$0x4], $0x4000, $0x38;
	[tilespmem:$0x1F000] =	vst v63  }
0x3b: {  	_ =	swait.ge [sflag:s15], $0x4000  }
0x3c: {  	s31 =	sld [smem:$0x7FD];
	_ =	sdelay $0x2  }
0x3d: {  	[sflag:s15] =	ssyncset.done $0x0;
	p0 =	seq.s32 s31, $0x1  }
0x3e: {  	[sflag:s15] =	ssyncadd.s32 $0xFFFFC000;
	s22 =	simm.s32 @!p0 $0x7800  }
0x3f: {  	[spmem:s13] =	stream.linear.scatter @!p0 [tilespmem:s22], [sflag:$0x4], $0x4000, $0x38;
	[tilespmem:$0x1F000] =	vst v63  }
0x40: {  	s22 =	simm.s32 @!p0 $0x4  }
.Ltmp4:
0x41: {  	_ =	swait.ge @!p0 [sflag:s22], $0x4000;
	(pc) =	sbr.rel .LBB2_6-.Ltmp4, $4  }
0x42: {  	[sflag:s22] =	ssyncset.done @!p0 $0x0  }
0x43: {  	[sflag:s22] =	ssyncadd.s32 @!p0 $0xFFFFC000  }
0x44: {  	[bflag:$0x0] =	sbarrier.arrive $0xFFFF  }
0x45: {  	p2 =	por $0x1, $0x1;
	s23 =	simm.s32 $0x0;
	s22 =	simm.s32 $0x0  }
.LBB2_18:
.Ltmp5:
0x46: {  	(pc) =	sbr.rel @!p1 .LBB2_19-.Ltmp5, $2  }
0x47: {  	_ =	sdelay $0x2  }
0x48: {  	s23 =	simm.s32 $0x2780;
	p2 =	por $0x0, $0x0  }
.LBB2_6:
0x49: {  	s23 =	sadd.s32 s6, s23  }
0x4a: {  	s24 =	smin.u32 s23, $0x4BA80  }
0x4b: {  	s25 =	sshrl.u32 s24, $0x2  }
0x4c: {  	s26 =	sadd.s32 s0, s25  }
0x4d: {  	[tilespmem:s22], [sflag:$0x4] =	stream.strided.gather [hbm4b:s26+s16], $0x2780, s17, s16, $0x38;
	[tilespmem:$0x1F000] =	vst v63  }
0x4e: {  	_ =	swait.ge [sflag:s15], $0x2780  }
0x4f: {  	[sflag:s15] =	ssyncset.done $0x0  }
0x50: {  	s25 =	sadd.s32 s25, s7;
	[sflag:s15] =	ssyncadd.s32 $0xFFFFD880  }
0x51: {  	[tilespmem:s18], [sflag:$0x4] =	stream.strided.gather [hbm4b:s25+s16], $0x2780, s17, s16, $0x38;
	[tilespmem:$0x1F000] =	vst v63  }
0x52: {  	_ =	swait.ge [sflag:s15], $0x2780  }
0x53: {  	[sflag:s15] =	ssyncset.done $0x0  }
0x54: {  	s31 =	simm.s32 $0x2820;
	[sflag:s15] =	ssyncadd.s32 $0xFFFFD880  }
0x55: {  	v7 =	vld [tilespmem:s31+$0xFFFFFFE0];
	_ =	sdelay $0x1  }
0x56: {  	s1 =	simm.s32 $0x20  }
0x57: {  	v8 =	vld [tilespmem:s1+$0xFFFFFFE0]  }
0x58: {  	s23 =	ssub.s32 s23, s24  }
0x59: {  	v9 =	vor.u32 s22, v2;
	v6 =	vmov s23;
	v7 =	vsub.s32 v7, v0  }
0x5a: {  	vm1 =	vge.u32 v9, v6;
	vm0 =	vlt.u32 v7, $0x1400  }
0x5b: {  	vm0 =	vmand vm1, vm0  }
0x5c: {  	[tilespmem:s22+$0x0] =	vst.msk vm0, v8;
	v8 =	vmpcnt.ones.xlane vm0  }
0x5d: {  	[tilespmem:s22+$0x2800] =	vst.msk vm0, v7  }
0x5e: {  	v7 =	vld [tilespmem:s31+$0xFFFFFFF0];
	(v2sf) =	vpush v8, $0x0;
	_ =	sdelay $0x3  }
0x5f: {  	s2 =	simm.s32 $0x10  }
0x60: {  	v8 =	vor.u32 s2, v2;
	v7 =	vsub.s32 v7, v0  }
0x61: {  	vm1 =	vge.u32 v8, v6;
	vm0 =	vlt.u32 v7, $0x1400  }
0x62: {  	vm0 =	vmand vm1, vm0  }
0x63: {  	v8 =	vmpcnt.ones.xlane vm0;
	_ =	sdelay $0x1  }
0x64: {  	(v2sf) =	vpush v8, $0x0;
	_ =	sdelay $0x1  }
0x65: {  	v8 =	vld [tilespmem:s1+$0xFFFFFFF0];
	_ =	sdelay $0x2  }
0x66: {  	s8 =	spop (v2sf)  }
0x67: {  	s23 =	sadd.s32 $0x0, s8  }
0x68: {  	[tilespmem:s23+$0x0] =	vst.msk vm0, v8  }
0x69: {  	[tilespmem:s23+$0x2800] =	vst.msk vm0, v7  }
0x6a: {  	v7 =	vld [tilespmem:s31+$0x0];
	_ =	sdelay $0x2  }
0x6b: {  	v8 =	vld [tilespmem:s1+$0x0]  }
0x6c: {  	s14 =	simm.s32 $0x20  }
0x6d: {  	v9 =	vor.u32 s14, v2;
	v7 =	vsub.s32 v7, v0  }
0x6e: {  	vm1 =	vge.u32 v9, v6;
	vm0 =	vlt.u32 v7, $0x1400;
	s21 =	spop (v2sf)  }
0x6f: {  	s23 =	sadd.s32 s23, s21;
	vm0 =	vmand vm1, vm0  }
0x70: {  	[tilespmem:s23+$0x0] =	vst.msk vm0, v8;
	v8 =	vmpcnt.ones.xlane vm0  }
0x71: {  	[tilespmem:s23+$0x2800] =	vst.msk vm0, v7  }
0x72: {  	v7 =	vld [tilespmem:s31+$0x10];
	(v2sf) =	vpush v8, $0x0;
	_ =	sdelay $0x3  }
0x73: {  	s30 =	simm.s32 $0x30  }
0x74: {  	v8 =	vor.u32 s30, v2;
	v7 =	vsub.s32 v7, v0  }
0x75: {  	vm1 =	vge.u32 v8, v6;
	vm0 =	vlt.u32 v7, $0x1400  }
0x76: {  	vm0 =	vmand vm1, vm0  }
0x77: {  	v8 =	vmpcnt.ones.xlane vm0;
	_ =	sdelay $0x1  }
0x78: {  	(v2sf) =	vpush v8, $0x0;
	_ =	sdelay $0x1  }
0x79: {  	v8 =	vld [tilespmem:s1+$0x10];
	_ =	sdelay $0x2  }
0x7a: {  	s31 =	spop (v2sf)  }
0x7b: {  	s28 =	sadd.s32 s23, s31  }
0x7c: {  	[tilespmem:s28+$0x0] =	vst.msk vm0, v8  }
0x7d: {  	s24 =	simm.s32 $0x2860;
	[tilespmem:s28+$0x2800] =	vst.msk vm0, v7  }
0x7e: {  	v7 =	vld [tilespmem:s24+$0xFFFFFFE0];
	_ =	sdelay $0x1  }
0x7f: {  	s23 =	simm.s32 $0x60  }
0x80: {  	v8 =	vld [tilespmem:s23+$0xFFFFFFE0]  }
0x81: {  	s25 =	simm.s32 $0x40  }
0x82: {  	v9 =	vor.u32 s25, v2;
	v7 =	vsub.s32 v7, v0  }
0x83: {  	p1 =	por p2, p2;
	s26 =	simm.s32 $0x4;
	vm1 =	vge.u32 v9, v6;
	vm0 =	vlt.u32 v7, $0x1400;
	s29 =	spop (v2sf)  }
.LBB2_7:
0x84: {  	s26 =	sadd.s32 $0x4, s26;
	vm0 =	vmand vm1, vm0;
	s28 =	sadd.s32 s28, s29  }
0x85: {  	p2 =	slt.u32 s26, $0x274;
	[tilespmem:s28+$0x0] =	vst.msk vm0, v8;
	v8 =	vmpcnt.ones.xlane vm0  }
0x86: {  	[tilespmem:s28+$0x2800] =	vst.msk vm0, v7  }
0x87: {  	v7 =	vld [tilespmem:s24+$0xFFFFFFF0];
	(v2sf) =	vpush v8, $0x0;
	_ =	sdelay $0x3  }
0x88: {  	s29 =	sadd.s32 $0x10, s25  }
0x89: {  	v8 =	vor.u32 s29, v2;
	v7 =	vsub.s32 v7, v0  }
0x8a: {  	vm1 =	vge.u32 v8, v6;
	vm0 =	vlt.u32 v7, $0x1400  }
0x8b: {  	vm0 =	vmand vm1, vm0  }
0x8c: {  	v8 =	vmpcnt.ones.xlane vm0;
	_ =	sdelay $0x1  }
0x8d: {  	(v2sf) =	vpush v8, $0x0;
	_ =	sdelay $0x1  }
0x8e: {  	v8 =	vld [tilespmem:s23+$0xFFFFFFF0];
	_ =	sdelay $0x2  }
0x8f: {  	s29 =	spop (v2sf)  }
0x90: {  	s28 =	sadd.s32 s28, s29  }
0x91: {  	[tilespmem:s28+$0x0] =	vst.msk vm0, v8  }
0x92: {  	[tilespmem:s28+$0x2800] =	vst.msk vm0, v7  }
0x93: {  	v7 =	vld [tilespmem:s24+$0x0];
	_ =	sdelay $0x2  }
0x94: {  	v8 =	vld [tilespmem:s23+$0x0]  }
0x95: {  	s29 =	sadd.s32 $0x20, s25  }
0x96: {  	v9 =	vor.u32 s29, v2;
	v7 =	vsub.s32 v7, v0  }
0x97: {  	vm1 =	vge.u32 v9, v6;
	vm0 =	vlt.u32 v7, $0x1400;
	s29 =	spop (v2sf)  }
0x98: {  	s28 =	sadd.s32 s28, s29;
	vm0 =	vmand vm1, vm0  }
0x99: {  	[tilespmem:s28+$0x0] =	vst.msk vm0, v8;
	v8 =	vmpcnt.ones.xlane vm0  }
0x9a: {  	[tilespmem:s28+$0x2800] =	vst.msk vm0, v7  }
0x9b: {  	v7 =	vld [tilespmem:s24+$0x10];
	(v2sf) =	vpush v8, $0x0  }
0x9c: {  	v8 =	vld [tilespmem:s23+$0x10];
	_ =	sdelay $0x2  }
0x9d: {  	s29 =	sadd.s32 $0x30, s25  }
0x9e: {  	v9 =	vor.u32 s29, v2;
	v7 =	vsub.s32 v7, v0  }
0x9f: {  	vm1 =	vge.u32 v9, v6;
	vm0 =	vlt.u32 v7, $0x1400  }
0xa0: {  	vm0 =	vmand vm1, vm0  }
0xa1: {  	v9 =	vmpcnt.ones.xlane vm0;
	_ =	sdelay $0x1  }
0xa2: {  	(v2sf) =	vpush v9, $0x0;
	_ =	sdelay $0x4  }
0xa3: {  	s29 =	spop (v2sf)  }
0xa4: {  	s28 =	sadd.s32 s28, s29  }
0xa5: {  	[tilespmem:s28+$0x0] =	vst.msk vm0, v8  }
0xa6: {  	s24 =	sadd.s32 $0x40, s24;
	[tilespmem:s28+$0x2800] =	vst.msk vm0, v7  }
0xa7: {  	v7 =	vld [tilespmem:s24+$0xFFFFFFE0];
	_ =	sdelay $0x1  }
.Ltmp6:
0xa8: {  	s23 =	sadd.s32 $0x40, s23;
	(pc) =	sbr.rel @p2 .LBB2_7-.Ltmp6, $4  }
0xa9: {  	v8 =	vld [tilespmem:s23+$0xFFFFFFE0]  }
0xaa: {  	s25 =	sadd.s32 $0x40, s25  }
0xab: {  	v9 =	vor.u32 s25, v2;
	v7 =	vsub.s32 v7, v0  }
0xac: {  	vm1 =	vge.u32 v9, v6;
	vm0 =	vlt.u32 v7, $0x1400;
	s29 =	spop (v2sf)  }
0xad: {  	vm0 =	vmand vm1, vm0;
	s26 =	sadd.s32 s28, s29  }
0xae: {  	[tilespmem:s26+$0x0] =	vst.msk vm0, v8;
	v58 =	vmpcnt.ones.xlane vm0  }
0xaf: {  	[tilespmem:s26+$0x2800] =	vst.msk vm0, v7  }
0xb0: {  	v7 =	vld [tilespmem:s24+$0xFFFFFFF0];
	(v2sf) =	vpush v58, $0x0;
	_ =	sdelay $0x3  }
0xb1: {  	s21 =	sadd.s32 $0x10, s25  }
0xb2: {  	v59 =	vor.u32 s21, v2;
	v7 =	vsub.s32 v7, v0  }
0xb3: {  	vm11 =	vge.u32 v59, v6;
	vm10 =	vlt.u32 v7, $0x1400  }
0xb4: {  	vm0 =	vmand vm11, vm10  }
0xb5: {  	v60 =	vmpcnt.ones.xlane vm0;
	_ =	sdelay $0x1  }
0xb6: {  	(v2sf) =	vpush v60, $0x0;
	_ =	sdelay $0x1  }
0xb7: {  	v61 =	vld [tilespmem:s23+$0xFFFFFFF0];
	_ =	sdelay $0x2  }
0xb8: {  	s29 =	spop (v2sf)  }
0xb9: {  	s26 =	sadd.s32 s26, s29  }
0xba: {  	[tilespmem:s26+$0x0] =	vst.msk vm0, v61  }
0xbb: {  	[tilespmem:s26+$0x2800] =	vst.msk vm0, v7  }
0xbc: {  	v7 =	vld [tilespmem:s24+$0x0];
	_ =	sdelay $0x2  }
0xbd: {  	v8 =	vld [tilespmem:s23+$0x0]  }
0xbe: {  	s30 =	sadd.s32 $0x20, s25  }
0xbf: {  	v9 =	vor.u32 s30, v2;
	v7 =	vsub.s32 v7, v0  }
0xc0: {  	vm13 =	vge.u32 v9, v6;
	vm12 =	vlt.u32 v7, $0x1400;
	s31 =	spop (v2sf)  }
0xc1: {  	s26 =	sadd.s32 s26, s31;
	vm0 =	vmand vm13, vm12  }
0xc2: {  	[tilespmem:s26+$0x0] =	vst.msk vm0, v8  }
0xc3: {  	[tilespmem:s26+$0x2800] =	vst.msk vm0, v7  }
0xc4: {  	v7 =	vld [tilespmem:s24+$0x10];
	_ =	sdelay $0x3  }
0xc5: {  	s1 =	sadd.s32 $0x30, s25  }
0xc6: {  	v62 =	vor.u32 s1, v2;
	v7 =	vsub.s32 v7, v0  }
0xc7: {  	vm2 =	vge.u32 v62, v6;
	vm14 =	vlt.u32 v7, $0x1400  }
0xc8: {  	v6 =	vmpcnt.ones.xlane vm0;
	vm15 =	vmand vm2, vm14  }
0xc9: {  	v63 =	vmpcnt.ones.xlane vm15  }
0xca: {  	(v2sf) =	vpush v6, $0x0  }
0xcb: {  	(v2sf) =	vpush v63, $0x0;
	_ =	sdelay $0xd  }
0xcc: {  	s2 =	spop (v2sf)  }
0xcd: {  	s26 =	sadd.s32 s26, s2;
	s8 =	spop (v2sf)  }
0xce: {  	s24 =	sadd.s32 s26, s8  }
0xcf: {  	s14 =	sadd.s32 $0x7F, s24  }
0xd0: {  	s21 =	sand.u32 $0x7F, s14  }
0xd1: {  	s29 =	sshra.s32 s14, $0x1F;
	p3 =	slt.s32 s14, $0x1;
	p2 =	sne.s32 s21, $0x0  }
0xd2: {  	s28 =	sshrl.u32 s29, $0x19;
	p2 =	por !p3, !p2  }
0xd3: {  	s25 =	sadd.s32 s28, s14;
	s28 =	simm.s32 $0x1;
	p2 =	por !p2, !p2  }
0xd4: {  	v6 =	vld [tilespmem:s23+$0x10];
	s30 =	sshra.s32 s25, $0x7;
	s28 =	simm.s32 @!p2 $0x0  }
0xd5: {  	s23 =	ssub.s32 s30, s28  }
0xd6: {  	s31 =	sshll.u32 s23, $0x7  }
0xd7: {  	s25 =	ssub.s32 s31, s24  }
0xd8: {  	p2 =	slt.s32 s25, $0x1  }
0xd9: {  	[tilespmem:s26+$0x0] =	vst.msk vm15, v6;
	v6 =	vlaneseq.u32 @!p2;
	p3 =	slt.u32 @!p2 s25, $0x11  }
0xda: {  	[tilespmem:s26+$0x2800] =	vst.msk vm15, v7;
	v7 =	vor.u32 @!p2 $0x2710, v6;
	p3 =	por p2, p3  }
0xdb: {  	v6 =	vor.u32 @!p2 $0x1400, v6;
	[tilespmem:s24+$0x0] =	vst @!p2 v7;
	v7 =	vlaneseq.u32 @!p3  }
0xdc: {  	p4 =	slt.u32 @!p3 s25, $0x21;
	[tilespmem:s24+$0x2800] =	vst @!p2 v6;
	v6 =	vor.u32 @!p3 $0x2720, v7  }
0xdd: {  	p2 =	por p3, p4;
	[tilespmem:s24+$0x10] =	vst @!p3 v6;
	v6 =	vor.u32 @!p3 $0x1410, v7  }
0xde: {  	[tilespmem:s24+$0x2810] =	vst @!p3 v6;
	p3 =	slt.u32 @!p2 s25, $0x31  }
0xdf: {  	p3 =	por p2, p3  }
.Ltmp7:
0xe0: {  	_ = 	snop;
	(pc) =	sbr.rel @p3 .LBB2_10-.Ltmp7, $4  }
0xe1: {  	v7 =	vlaneseq.u32 @!p2  }
0xe2: {  	v6 =	vor.u32 @!p2 $0x2730, v7  }
0xe3: {  	[tilespmem:s24+$0x20] =	vst @!p2 v6;
	v6 =	vor.u32 @!p2 $0x1420, v7  }
0xe4: {  	[tilespmem:s24+$0x2820] =	vst @!p2 v6  }
0xe5: {  	p2 =	slt.u32 s25, $0x41  }
0xe6: {  	p3 =	slt.u32 @!p2 s25, $0x51  }
0xe7: {  	p4 =	por p3, p2  }
0xe8: {  	p6 =	slt.u32 @!p4 s25, $0x61  }
0xe9: {  	[tilespmem:s24+$0x30] =	vst v3;
	v6 =	vlaneseq.u32 @!p2;
	p5 =	por @!p2 p6, p3  }
0xea: {  	[tilespmem:s24+$0x2830] =	vst v4;
	v7 =	vor.u32 @!p2 $0x2750, v6;
	p5 =	por p5, p2  }
0xeb: {  	v6 =	vor.u32 @!p2 $0x1440, v6;
	[tilespmem:s24+$0x40] =	vst @!p2 v7;
	v7 =	vlaneseq.u32 @!p4;
	p0 =	slt.u32 @!p5 s25, $0x71  }
0xec: {  	[tilespmem:s24+$0x2840] =	vst @!p2 v6;
	v6 =	vor.u32 @!p4 $0x2760, v7;
	p0 =	por @!p4 p0, p6  }
0xed: {  	[tilespmem:s24+$0x50] =	vst @!p4 v6;
	v6 =	vor.u32 @!p4 $0x1450, v7;
	v7 =	vlaneseq.u32 @!p5;
	p0 =	por @!p2 p0, p3  }
0xee: {  	[tilespmem:s24+$0x2850] =	vst @!p4 v6;
	v6 =	vor.u32 @!p5 $0x2770, v7;
	p0 =	por p0, p2  }
0xef: {  	[tilespmem:s24+$0x60] =	vst @!p5 v6;
	v6 =	vor.u32 @!p5 $0x1460, v7;
	v7 =	vlaneseq.u32 @!p0  }
0xf0: {  	[tilespmem:s24+$0x2860] =	vst @!p5 v6;
	v6 =	vor.u32 @!p0 $0x2780, v7  }
0xf1: {  	[tilespmem:s24+$0x70] =	vst @!p0 v6;
	v6 =	vor.u32 @!p0 $0x1470, v7  }
0xf2: {  	[tilespmem:s24+$0x2870] =	vst @!p0 v6  }
.LBB2_10:
0xf3: {  	p0 =	slt.s32 s23, $0x1  }
.Ltmp8:
0xf4: {  	_ = 	snop;
	(pc) =	sbr.rel @p0 .LBB2_18-.Ltmp8, $1  }
0xf5: {  	_ =	sdelay $0x3  }
0xf6: {  	p0 =	sne.s32 s23, $0x1  }
.Ltmp9:
0xf7: {  	_ = 	snop;
	(pc) =	sbr.rel @!p0 .LBB2_12-.Ltmp9, $3  }
0xf8: {  	_ =	sdelay $0x1  }
0xf9: {  	s25 =	simm.s32 $0x2840  }
0xfa: {  	s24 =	simm.s32 $0x5040;
	s26 =	sadd.s32 $0xFFFFFFFF, s23;
	p2 =	por $0x0, $0x0;
	v6 =	vld [tilespmem:s25+$0xFFFFFFC0]  }
0xfb: {  	_ =	sdelay $0x3  }
0xfc: {  	[tilespmem:s24+$0xFFFFFFC0] =	vst v6  }
0xfd: {  	v6 =	vld [tilespmem:s25+$0xFFFFFFD0];
	_ =	sdelay $0x4  }
0xfe: {  	[tilespmem:s24+$0xFFFFFFD0] =	vst v6  }
0xff: {  	v6 =	vld [tilespmem:s25+$0xFFFFFFE0];
	_ =	sdelay $0x4  }
0x100: {  	[tilespmem:s24+$0xFFFFFFE0] =	vst v6  }
0x101: {  	v6 =	vld [tilespmem:s25+$0xFFFFFFF0];
	_ =	sdelay $0x4  }
0x102: {  	[tilespmem:s24+$0xFFFFFFF0] =	vst v6  }
0x103: {  	v6 =	vld [tilespmem:s25+$0x0];
	_ =	sdelay $0x4  }
0x104: {  	[tilespmem:s24+$0x0] =	vst v6  }
0x105: {  	v6 =	vld [tilespmem:s25+$0x10];
	_ =	sdelay $0x4  }
0x106: {  	[tilespmem:s24+$0x10] =	vst v6  }
0x107: {  	v6 =	vld [tilespmem:s25+$0x20];
	_ =	sdelay $0x4  }
0x108: {  	[tilespmem:s24+$0x20] =	vst v6  }
0x109: {  	v6 =	vld [tilespmem:s25+$0x30]  }
0x10a: {  	p0 =	sne.s32 s26, $0x1  }
.Ltmp10:
0x10b: {  	_ = 	snop;
	(pc) =	sbr.rel @!p0 .LBB2_14-.Ltmp10, $3  }
0x10c: {  	_ =	sdelay $0x1  }
0x10d: {  	s25 =	simm.s32 $0x28C0;
	[tilespmem:s24+$0x30] =	vst v6  }
0x10e: {  	s28 =	sadd.s32 $0xFFFFFFFF, s26;
	p2 =	por $0x1, $0x1;
	s26 =	simm.s32 $0x5040;
	v6 =	vld [tilespmem:s25+$0xFFFFFFC0]  }
.LBB2_15:
0x10f: {  	p3 =	sne.s32 s28, $0x1;
	_ =	sdelay $0x2  }
0x110: {  	s26 =	sadd.s32 $0x80, s26  }
0x111: {  	[tilespmem:s26+$0xFFFFFFC0] =	vst v6  }
0x112: {  	v6 =	vld [tilespmem:s25+$0xFFFFFFD0];
	_ =	sdelay $0x4  }
0x113: {  	[tilespmem:s26+$0xFFFFFFD0] =	vst v6  }
0x114: {  	v6 =	vld [tilespmem:s25+$0xFFFFFFE0];
	_ =	sdelay $0x4  }
0x115: {  	[tilespmem:s26+$0xFFFFFFE0] =	vst v6  }
0x116: {  	v6 =	vld [tilespmem:s25+$0xFFFFFFF0];
	_ =	sdelay $0x4  }
0x117: {  	[tilespmem:s26+$0xFFFFFFF0] =	vst v6  }
0x118: {  	v6 =	vld [tilespmem:s25+$0x0];
	_ =	sdelay $0x4  }
0x119: {  	[tilespmem:s26+$0x0] =	vst v6  }
0x11a: {  	v6 =	vld [tilespmem:s25+$0x10];
	_ =	sdelay $0x4  }
0x11b: {  	[tilespmem:s26+$0x10] =	vst v6  }
0x11c: {  	v6 =	vld [tilespmem:s25+$0x20];
	_ =	sdelay $0x4  }
0x11d: {  	[tilespmem:s26+$0x20] =	vst v6  }
0x11e: {  	v6 =	vld [tilespmem:s25+$0x30];
	_ =	sdelay $0x1  }
.Ltmp11:
0x11f: {  	(pc) =	sbr.rel @p3 .LBB2_15-.Ltmp11, $3  }
0x120: {  	_ =	sdelay $0x1  }
0x121: {  	s25 =	sadd.s32 $0x80, s25;
	[tilespmem:s26+$0x30] =	vst v6  }
0x122: {  	s28 =	sadd.s32 $0xFFFFFFFF, s28;
	v6 =	vld [tilespmem:s25+$0xFFFFFFC0]  }
.LBB2_16:
0x123: {  	_ =	sdelay $0x1  }
0x124: {  	s26 =	sadd.s32 @p2 $0x80, s26  }
0x125: {  	s24 =	smov.u32 @p2 s26  }
0x126: {  	[tilespmem:s24+$0xFFFFFFC0] =	vst v6  }
0x127: {  	v6 =	vld [tilespmem:s25+$0xFFFFFFD0];
	_ =	sdelay $0x4  }
0x128: {  	[tilespmem:s24+$0xFFFFFFD0] =	vst v6  }
0x129: {  	v6 =	vld [tilespmem:s25+$0xFFFFFFE0];
	_ =	sdelay $0x4  }
0x12a: {  	[tilespmem:s24+$0xFFFFFFE0] =	vst v6  }
0x12b: {  	v6 =	vld [tilespmem:s25+$0xFFFFFFF0];
	_ =	sdelay $0x4  }
0x12c: {  	[tilespmem:s24+$0xFFFFFFF0] =	vst v6  }
0x12d: {  	v6 =	vld [tilespmem:s25+$0x0];
	_ =	sdelay $0x4  }
0x12e: {  	[tilespmem:s24+$0x0] =	vst v6  }
0x12f: {  	v6 =	vld [tilespmem:s25+$0x10];
	_ =	sdelay $0x4  }
0x130: {  	[tilespmem:s24+$0x10] =	vst v6  }
0x131: {  	v6 =	vld [tilespmem:s25+$0x20];
	_ =	sdelay $0x4  }
0x132: {  	[tilespmem:s24+$0x20] =	vst v6  }
0x133: {  	v6 =	vld [tilespmem:s25+$0x30];
	_ =	sdelay $0x2  }
0x134: {  	s28 =	simm.s32 $0xB800  }
0x135: {  	s29 =	simm.s32 $0x2;
	s30 =	simm.s32 $0x1;
	s31 =	simm.s32 $0x0  }
0x136: {  	s26 =	simm.s32 $0x1;
	s25 =	simm.s32 $0x7800;
	[tilespmem:s24+$0x30] =	vst v6;
	s24 =	simm.s32 $0x0  }
0x137: {  	[tilespmem:s25], [sflag:$0x1] =	stream.indirect.gather [hbm4b:s5+s16], $0x80, s24, s16, $0xb8;
	[tilespmem:$0x1F000] =	vst v63  }
.LBB2_17:
0x138: {  	s1 =	smulhi.u32 $0xAAAAAAAB, s26;
	_ =	sdelay $0x1  }
0x139: {  	s21 =	smulhi.u32 $0xAAAAAAAB, s31;
	s1 =	sshrl.u32 s1, $0x1  }
0x13a: {  	s31 =	sadd.s32 $0x1, s31;
	s2 =	smul.u32 $0xFFFD0000, s1  }
0x13b: {  	p0 =	sge.s32 s31, s23;
	s1 =	smul.u32 $0xFFFFFFF4, s1  }
0x13c: {  	s8 =	sshra.s32 @!p0 s24, $0x2  }
0x13d: {  	s14 =	simm.s32 @!p0 $0x80;
	s2 =	sshra.s32 s2, $0x2;
	s1 =	sshra.s32 s1, $0x2  }
0x13e: {  	s8 =	sadd.s32 @!p0 $0x80, s8;
	s2 =	sadd.s32 s2, s28;
	s1 =	sadd.s32 s1, s29  }
0x13f: {  	[tilespmem:s2], [sflag:s1] =	stream.indirect.gather @!p0 [hbm4b:s5+s14], $0x80, s8, s14, $0xb8;
	[tilespmem:$0x1F000] =	vst v63  }
0x140: {  	s1 =	sshra.s32 s24, $0x2  }
0x141: {  	v6 =	vld [tilespmem:s1+$0x5000];
	_ =	sdelay $0x4  }
0x142: {  	vm0 =	vlt.s32 v6, $0x1400;
	_ =	sdelay $0x5  }
0x143: {  	[tilespmem:v6+s19+$0x0] =	vst.idx.add.f32.msk vm0, v5  }
0x144: {  	v6 =	vld [tilespmem:s1+$0x5010];
	_ =	sdelay $0x4  }
0x145: {  	vm9 =	vlt.s32 v6, $0x1400;
	_ =	sdelay $0x5  }
0x146: {  	[tilespmem:v6+s19+$0x0] =	vst.idx.add.f32.msk vm9, v5  }
0x147: {  	v6 =	vld [tilespmem:s1+$0x5020];
	_ =	sdelay $0x4  }
0x148: {  	vm10 =	vlt.s32 v6, $0x1400;
	_ =	sdelay $0x5  }
0x149: {  	[tilespmem:v6+s19+$0x0] =	vst.idx.add.f32.msk vm10, v5  }
0x14a: {  	v6 =	vld [tilespmem:s1+$0x5030];
	_ =	sdelay $0x4  }
0x14b: {  	vm11 =	vlt.s32 v6, $0x1400;
	_ =	sdelay $0x5  }
0x14c: {  	[tilespmem:v6+s19+$0x0] =	vst.idx.add.f32.msk vm11, v5  }
0x14d: {  	v6 =	vld [tilespmem:s1+$0x5040];
	_ =	sdelay $0x4  }
0x14e: {  	vm12 =	vlt.s32 v6, $0x1400;
	_ =	sdelay $0x5  }
0x14f: {  	[tilespmem:v6+s19+$0x0] =	vst.idx.add.f32.msk vm12, v5  }
0x150: {  	v6 =	vld [tilespmem:s1+$0x5050];
	_ =	sdelay $0x4  }
0x151: {  	vm13 =	vlt.s32 v6, $0x1400;
	_ =	sdelay $0x5  }
0x152: {  	[tilespmem:v6+s19+$0x0] =	vst.idx.add.f32.msk vm13, v5  }
0x153: {  	v6 =	vld [tilespmem:s1+$0x5060];
	_ =	sdelay $0x4  }
0x154: {  	vm14 =	vlt.s32 v6, $0x1400;
	_ =	sdelay $0x5  }
0x155: {  	[tilespmem:v6+s19+$0x0] =	vst.idx.add.f32.msk vm14, v5  }
0x156: {  	v6 =	vld [tilespmem:s1+$0x5070];
	_ =	sdelay $0x4  }
0x157: {  	vm15 =	vlt.s32 v6, $0x1400;
	_ =	sdelay $0x1  }
0x158: {  	s14 =	sshrl.u32 s21, $0x1  }
0x159: {  	s21 =	smul.u32 $0xFFFFFFF4, s14;
	_ =	sdelay $0x1  }
0x15a: {  	s2 =	smul.u32 $0xFFFD0000, s14;
	s8 =	sshra.s32 s21, $0x2  }
0x15b: {  	s8 =	sadd.s32 s8, s30;
	[tilespmem:v6+s19+$0x0] =	vst.idx.add.f32.msk vm15, v5  }
0x15c: {  	s2 =	sshra.s32 s2, $0x2;
	_ =	swait.ge [sflag:s8], $0x4000  }
0x15d: {  	p0 =	sne.s32 s23, s31;
	s2 =	sadd.s32 s2, s25;
	[sflag:s8] =	ssyncset.done $0x0  }
.Ltmp12:
0x15e: {  	s1 =	sadd.s32 $0x5000, s1;
	[sflag:s8] =	ssyncadd.s32 $0xFFFFC000;
	(pc) =	sbr.rel @p0 .LBB2_17-.Ltmp12, $4  }
0x15f: {  	[spmem:s3] =	stream.indirect.scatter.add.f32 [tilespmem:s2], [sflag:$0x4], $0x80, s1, s16, $0xb8;
	[tilespmem:$0x1F000] =	vst v63  }
0x160: {  	s26 =	sadd.s32 $0x1, s26;
	s28 =	sadd.s32 $0x4000, s28;
	_ =	swait.ge [sflag:s15], $0x4000  }
0x161: {  	s29 =	sadd.s32 $0x1, s29;
	s24 =	sadd.s32 $0x200, s24;
	[sflag:s15] =	ssyncset.done $0x0  }
0x162: {  	s25 =	sadd.s32 $0x4000, s25;
	s30 =	sadd.s32 $0x1, s30;
	[sflag:s15] =	ssyncadd.s32 $0xFFFFC000  }
.Ltmp13:
0x163: {  	_ = 	snop;
	(pc) =	sbr.rel .LBB2_18-.Ltmp13, $1  }
0x164: {  	_ =	sdelay $0x3  }
.LBB2_12:
.Ltmp14:
0x165: {  	(pc) =	sbr.rel .LBB2_16-.Ltmp14, $2  }
0x166: {  	_ =	sdelay $0x2  }
0x167: {  	s26 =	simm.s32 $0x5040  }
.LBB2_14:
.Ltmp15:
0x168: {  	(pc) =	sbr.rel .LBB2_16-.Ltmp15, $2  }
0x169: {  	_ =	sdelay $0x2  }
0x16a: {  	s26 =	simm.s32 $0x5040  }
.LBB2_20:
0x16b: {  	_ =	sfence.sel $0x180000  }
0x16c: {  	[bflag:$0x0] =	sbarrier.arrive $0xFFFF  }
0x16d: {  	_ =	strace $0x90000047  }
0x16e: {  	s0 =	stileid.u32;
	[bflag:$0x2] =	sbarrier.arrive $0xFFFF  }
0x16f: {  	p0 =	sne.s32 s0, $0x0;
	s0 =	rddreg [dreg:$0x4]  }
0x170: {  	s0 =	sadd.s32 @!p0 $0x100000, s0  }
0x171: {  	[sflag:s0] =	ssyncadd.tile.s32 @!p0 $0x1;
	_ =	shalt  }
.Lfunc_end2:
_tile_overlayer_lowered:
.L_overlay_start_2:
0x172: {  	(tag) =	ssettag $0x2  }
0x173: {  	s0 =	rddreg [dreg:$0x0];
	s2 =	stileid.u32  }
0x174: {  	s1 =	rddreg [dreg:$0x1];
	p0 =	sne.s32 s2, $0x0  }
0x175: {  	s3 =	rddreg [dreg:$0x2];
	[bflag:$0x3] =	sbarrier.arrive $0xFFFF;
	s2 =	simm.s32 @!p0 $0x1C04  }
0x176: {  	[timem:s3], [sflag:s2] =	dma.local @!p0 [hbm:s0], s1  }
0x177: {  	s0 =	simm.s32 @!p0 $0x4  }
0x178: {  	_ =	swait.ge @!p0 [sflag:s0], s1  }
0x179: {  	s1 =	ssub.s32 @!p0 $0x0, s1;
	[sflag:s0] =	ssyncset.done @!p0 $0x0  }
0x17a: {  	[sflag:s0] =	ssyncadd.s32 @!p0 s1  }
0x17b: {  	[bflag:$0x3] =	sbarrier.arrive $0xFFFF  }
0x17c: {  	_ =	shalt  }

</sc_bundles>
